<compile_context>
chip_gen: v7x
topology: tpu7x:2x2x1
jax: 0.10.2.dev20260603
libtpu: 0.0.44.dev20260713+nightly
codegen_flags: <defaults>
</compile_context>

<pallas_src>
import jax
import jax.numpy as jnp
from jax import lax
from jax.experimental import pallas as pl
from jax.experimental.pallas import tpu as pltpu
from jax.experimental.pallas import tpu_sc as plsc

BS = 32
NH = NW = 64
NC = 6
NPIX = BS * NH * NW
NBOX = 2 * BS
NBATCH_STEP = 8
NSTEP = BS // NBATCH_STEP
NROWS = NC * NBOX


def _dense_body(preds_ref, out_ref, acc_ref):
    step = pl.program_id(0)
    a = preds_ref[:, 0, :, :].reshape(NBATCH_STEP * NH, NW)
    b = preds_ref[:, 1, :, :].reshape(NBATCH_STEP * NH, NW)
    m = jnp.maximum(a, b)
    logz = m + jnp.log(1.0 + jnp.exp(-jnp.abs(a - b)))
    partial = jnp.sum(logz - 0.995 * a - 0.005 * b)

    @pl.when(step == 0)
    def _():
        acc_ref[0] = partial

    @pl.when(step > 0)
    def _():
        acc_ref[0] = acc_ref[0] + partial

    @pl.when(step == NSTEP - 1)
    def _():
        out_ref[0] = acc_ref[0]


def _dense_sum(preds):
    return pl.pallas_call(
        _dense_body,
        grid=(NSTEP,),
        out_shape=jax.ShapeDtypeStruct((1,), jnp.float32),
        in_specs=[
            pl.BlockSpec((NBATCH_STEP, 2, NH, NW), lambda i: (i, 0, 0, 0)),
        ],
        out_specs=pl.BlockSpec(memory_space=pltpu.SMEM),
        scratch_shapes=[pltpu.SMEM((1,), jnp.float32)],
    )(preds)


def _sc_body(preds2d, aux, out, aux_v, idx_v, rows_v, acc_v, sem):
    on0 = jnp.logical_and(lax.axis_index("c") == 0, lax.axis_index("s") == 0)

    @pl.when(on0)
    def _():
        pltpu.sync_copy(aux, aux_v)
        sx = aux_v[pl.ds(320, 16)]
        sy = aux_v[pl.ds(336, 16)]
        lane = jnp.arange(16, dtype=jnp.int32)

        xi_c, fx_c, fy_c, gw_c, gh_c, cell_c, val_c, row_c, col_c = \
            [], [], [], [], [], [], [], [], []
        for j in range(4):
            fld = j * 64 + lane * 4
            x1 = plsc.load_gather(aux_v, [fld]) * sx
            y1 = plsc.load_gather(aux_v, [fld + 1]) * sy
            x2 = plsc.load_gather(aux_v, [fld + 2]) * sx
            y2 = plsc.load_gather(aux_v, [fld + 3]) * sy
            xc = (x1 + x2) * 0.5
            yc = (y1 + y2) * 0.5
            xi = jnp.clip(xc.astype(jnp.int32), 0, NW - 1)
            yi = jnp.clip(yc.astype(jnp.int32), 0, NH - 1)
            xi_c.append(xi)
            fx_c.append(xc - xi.astype(jnp.float32))
            fy_c.append(yc - yi.astype(jnp.float32))
            gw_c.append((x2 - x1) * (1.0 / NW))
            gh_c.append((y2 - y1) * (1.0 / NH))
            cell_c.append(yi * NW + xi)
            col_c.append((yi & 1) * NW + xi)
            val_c.append(aux_v[pl.ds(256 + j * 16, 16)])
            batch = (j % 2) * 16 + lane
            row_c.append(batch * (NC * NH // 2) + (yi >> 1))

        w_c = []
        for j in range(4):
            v = val_c[j]
            if j < 2:
                lose = jnp.logical_and(
                    cell_c[j] == cell_c[j + 2],
                    jnp.logical_and(val_c[j] > 0.5, val_c[j + 2] > 0.5))
                v = v * (1.0 - lose.astype(jnp.float32))
            w_c.append(v)

        for c in range(NC):
            for j in range(4):
                idx_v[pl.ds(c * 64 + j * 16, 16)] = row_c[j] + c * (NH // 2)

        pltpu.async_copy(preds2d.at[idx_v], rows_v, sem).wait()

        corr = jnp.zeros((16,), jnp.float32)
        l1 = jnp.zeros((16,), jnp.float32)
        cnt = jnp.zeros((16,), jnp.float32)
        for j in range(4):
            ridx = j * 16 + lane
            v0 = plsc.load_gather(rows_v, [ridx, col_c[j]])
            v1 = plsc.load_gather(rows_v, [ridx + 64, col_c[j]])
            v2 = plsc.load_gather(rows_v, [ridx + 128, col_c[j]])
            v3 = plsc.load_gather(rows_v, [ridx + 192, col_c[j]])
            v4 = plsc.load_gather(rows_v, [ridx + 256, col_c[j]])
            v5 = plsc.load_gather(rows_v, [ridx + 320, col_c[j]])
            w = w_c[j]
            corr = corr + w * (v0 - v1)
            l1 = l1 + w * (jnp.abs(v2 - fx_c[j]) + jnp.abs(v3 - fy_c[j])
                           + jnp.abs(v4 - gw_c[j]) + jnp.abs(v5 - gh_c[j]))
            cnt = cnt + w
        acc_v[0, :] = corr * 0.99
        acc_v[1, :] = l1
        acc_v[2, :] = cnt
        acc_v[3, :] = jnp.zeros((16,), jnp.float32)
        pltpu.sync_copy(acc_v, out)


def _sc_call():
    return pl.kernel(
        _sc_body,
        out_type=jax.ShapeDtypeStruct((4, 16), jnp.float32),
        mesh=plsc.VectorSubcoreMesh(core_axis_name="c", subcore_axis_name="s",
                                    num_cores=1, num_subcores=1),
        compiler_params=pltpu.CompilerParams(needs_layout_passes=False),
        scratch_types=[
            pltpu.VMEM((352,), jnp.float32),
            pltpu.VMEM((NROWS,), jnp.int32),
            pltpu.VMEM((NROWS, 2 * NW), jnp.float32),
            pltpu.VMEM((4, 16), jnp.float32),
            pltpu.SemaphoreType.DMA,
        ],
    )


def kernel(preds, exist_mask, boxes_licence, boxes_attach_licence, iw, ih):
    bs, nc, nh, nw = preds.shape
    preds2d = preds.reshape(bs * nc * nh // 2, 2 * nw)
    sx = (nw / (1.0 * iw)).astype(jnp.float32)
    sy = (nh / (1.0 * ih)).astype(jnp.float32)
    aux = jnp.concatenate([boxes_licence.reshape(-1),
                           boxes_attach_licence.reshape(-1),
                           exist_mask.astype(jnp.float32),
                           jnp.full((16,), sx, jnp.float32),
                           jnp.full((16,), sy, jnp.float32)])

    dense = _dense_sum(preds)[0]
    sc = _sc_call()(preds2d, aux)

    corr = jnp.sum(sc[0])
    l1 = jnp.sum(sc[1])
    cnt = jnp.sum(sc[2])
    clf = (dense + corr) * (1.0 / NPIX)
    coord = l1 / (cnt * 4.0)
    return (clf + coord, clf, coord)

# --- scband reference (transcript-rebuilt; emitter-appended) ---
"""Pipeline reference for scband-licence-loss-8864812499666 (READ-ONLY COPY).

The authoritative reference and input builder live on the scoring server;
editing this copy changes nothing except your own understanding.
"""

import jax, jax.numpy as jnp
import numpy as np

BS, NH, NW, IW, IH = 32, 64, 64, 512, 512

def setup_inputs(seed: int = 0) -> dict:
    key = jax.random.key(seed)
    ks = jax.random.split(key, 10)
    preds = jax.random.normal(ks[0], (BS, 6, NH, NW), dtype=jnp.float32)
    exist_mask = jax.random.bernoulli(ks[1], 0.8, (2 * BS,))
    exist_mask = exist_mask.at[0].set(True)
    def make_boxes(ka, kb, kc, kd):
        x1 = jax.random.uniform(ka, (BS,), minval=0.0, maxval=400.0)
        y1 = jax.random.uniform(kb, (BS,), minval=0.0, maxval=400.0)
        w = jax.random.uniform(kc, (BS,), minval=10.0, maxval=110.0)
        h = jax.random.uniform(kd, (BS,), minval=10.0, maxval=110.0)
        return jnp.stack([x1, y1, jnp.minimum(x1 + w, 511.0), jnp.minimum(y1 + h, 511.0)], axis=-1).astype(jnp.float32)
    boxes_licence = make_boxes(ks[2], ks[3], ks[4], ks[5])
    boxes_attach_licence = make_boxes(ks[6], ks[7], ks[8], ks[9])
    return {"preds": preds, "exist_mask": exist_mask, "boxes_licence": boxes_licence, "boxes_attach_licence": boxes_attach_licence, "iw": IW, "ih": IH}

def _label_smoothing_loss(x, target, smoothing=0.01):
    logprobs = jax.nn.log_softmax(x, axis=-1)
    nll = -jnp.take_along_axis(logprobs, target[:, None], axis=1)[:, 0]
    smooth = -logprobs.mean(axis=-1)
    return ((1.0 - smoothing) * nll + smoothing * smooth).mean()

def reference(preds, exist_mask, boxes_licence, boxes_attach_licence, iw, ih):
    bs, n_attr, nh, nw = preds.shape
    licence_total = jnp.concatenate([boxes_licence, boxes_attach_licence], axis=0)
    x1_gt = licence_total[:, 0] / iw * nw
    y1_gt = licence_total[:, 1] / ih * nh
    x2_gt = licence_total[:, 2] / iw * nw
    y2_gt = licence_total[:, 3] / ih * nh
    xc = (x1_gt + x2_gt) / 2.0
    yc = (y1_gt + y2_gt) / 2.0
    x_idx = jnp.clip(xc.astype(jnp.int32), 0, nw - 1)
    y_idx = jnp.clip(yc.astype(jnp.int32), 0, nh - 1)
    gt = jnp.zeros((bs, 5, nh, nw), dtype=jnp.float32)
    batch_idx = jnp.tile(jnp.arange(bs), 2)
    batch_idx = jnp.where(exist_mask, batch_idx, bs)
    gt = gt.at[batch_idx, 0, y_idx, x_idx].set(1.0, mode='drop')
    gt = gt.at[batch_idx, 1, y_idx, x_idx].set(xc - x_idx.astype(jnp.float32), mode='drop')
    gt = gt.at[batch_idx, 2, y_idx, x_idx].set(yc - y_idx.astype(jnp.float32), mode='drop')
    gt = gt.at[batch_idx, 3, y_idx, x_idx].set((x2_gt - x1_gt) / nw, mode='drop')
    gt = gt.at[batch_idx, 4, y_idx, x_idx].set((y2_gt - y1_gt) / nh, mode='drop')
    clf_gt = gt[:, 0, :, :].reshape(-1).astype(jnp.int32)
    clf_pred = jnp.transpose(preds[:, :2, :, :], (0, 2, 3, 1)).reshape(-1, 2)
    clf_loss = _label_smoothing_loss(clf_pred, clf_gt)
    pos_mask = gt[:, 0, :, :] == 1
    coord_gt = jnp.transpose(gt[:, 1:, :, :], (0, 2, 3, 1))
    coord_pred = jnp.transpose(preds[:, 2:, :, :], (0, 2, 3, 1))
    coord_abs = jnp.where(pos_mask[..., None], jnp.abs(coord_pred - coord_gt), 0.0)
    coord_count = pos_mask.sum().astype(jnp.float32) * coord_gt.shape[-1]
    coord_loss = coord_abs.sum() / coord_count
    licence_loss = clf_loss + coord_loss
    return (licence_loss, clf_loss, coord_loss)

if __name__ == "__main__":
    import jax
    _d = setup_inputs()
    print(jax.jit(kernel)(*tuple(_d.values())))

</pallas_src>

<mosaic_0001>
#map = affine_map<(d0, d1) -> (0, 0)>
#map1 = affine_map<(d0, d1) -> (0)>
module attributes {stable_mosaic.version = 14 : i64} {
  func.func @_sc_body(%arg0: i32, %arg1: i32, %arg2: memref<6144x128xf32, #tpu.memory_space<hbm>>, %arg3: memref<352xf32, #tpu.memory_space<hbm>>, %arg4: memref<4x16xf32, #tpu.memory_space<hbm>>, %arg5: memref<352xf32, #tpu.memory_space<vmem>>, %arg6: memref<384xi32, #tpu.memory_space<vmem>>, %arg7: memref<384x128xf32, #tpu.memory_space<vmem>>, %arg8: memref<4x16xf32, #tpu.memory_space<vmem>>, %arg9: memref<!tpu.dma_semaphore, #tpu.memory_space<semaphore_mem>>) attributes {dimension_semantics = [#tpu.dimension_semantics<core_parallel>, #tpu.dimension_semantics<subcore_parallel>], iteration_bounds = array<i64: 1, 1>, scalar_prefetch = 0 : i64, scratch_operands = 5 : i64, tpu.core_type = #tpu.core_type<sc_vector_subcore>, window_params = [{transform_indices = #map}, {transform_indices = #map1}, {transform_indices = #map}]} {
    %eq3A = arith.constant 0 : i32
    %eq3A_0 = arith.cmpi eq, %arg0, %eq3A : i32
    %eq3A_1 = arith.constant 0 : i32
    %eq3A_2 = arith.cmpi eq, %arg1, %eq3A_1 : i32
    %and3A = arith.andi %eq3A_0, %eq3A_2 : i1
    %convert_element_type3A = arith.extui %and3A : i1 to i32
    %cond3A = arith.constant 0 : i32
    %cond3A_3 = arith.cmpi ne, %convert_element_type3A, %cond3A : i32
    scf.if %cond3A_3 {
      "tpu.region"() ({
        %run_scoped3A = tpu.sem_alloc : memref<!tpu.dma_semaphore, #tpu.memory_space<semaphore_mem>>
        tpu.enqueue_dma source(%arg3 : memref<352xf32, #tpu.memory_space<hbm>>) target(%arg5 : memref<352xf32, #tpu.memory_space<vmem>>) target_semaphore(%run_scoped3A : memref<!tpu.dma_semaphore, #tpu.memory_space<semaphore_mem>>)
        tpu.wait_dma2 semaphore(%run_scoped3A : memref<!tpu.dma_semaphore, #tpu.memory_space<semaphore_mem>>) src(%arg3 : memref<352xf32, #tpu.memory_space<hbm>>) dst(%arg5 : memref<352xf32, #tpu.memory_space<vmem>>)
        tpu.yield
      }) : () -> ()
      %get3A = arith.constant 320 : index
      %get3A_4 = tpu.vector_load %arg5[%get3A] {strides = array<i32>} : memref<352xf32, #tpu.memory_space<vmem>>, vector<16xf32>,
      %get3A_5 = arith.constant 336 : index
      %get3A_6 = tpu.vector_load %arg5[%get3A_5] {strides = array<i32>} : memref<352xf32, #tpu.memory_space<vmem>>, vector<16xf32>,
      %iota3A = tpu.iota {dimensions = array<i32: 0>} : vector<16xi32>
      %mul3A = arith.constant 4 : i32
      %mul3A_7 = vector.broadcast %mul3A : i32 to vector<16xi32>
      %mul3A_8 = arith.muli %iota3A, %mul3A_7 : vector<16xi32>
      %add3A = arith.constant 0 : i32
      %add3A_9 = vector.broadcast %add3A : i32 to vector<16xi32>
      %add3A_10 = arith.addi %add3A_9, %mul3A_8 : vector<16xi32>
      %gather3A = tpu.vector_load_idx %arg5[%add3A_10] : memref<352xf32, #tpu.memory_space<vmem>>[vector<16xi32>], vector<16xf32>,
      %mul3A_11 = arith.mulf %gather3A, %get3A_4 : vector<16xf32>
      %add3A_12 = arith.constant 1 : i32
      %add3A_13 = vector.broadcast %add3A_12 : i32 to vector<16xi32>
      %add3A_14 = arith.addi %add3A_10, %add3A_13 : vector<16xi32>
      %gather3A_15 = tpu.vector_load_idx %arg5[%add3A_14] : memref<352xf32, #tpu.memory_space<vmem>>[vector<16xi32>], vector<16xf32>,
      %mul3A_16 = arith.mulf %gather3A_15, %get3A_6 : vector<16xf32>
      %add3A_17 = arith.constant 2 : i32
      %add3A_18 = vector.broadcast %add3A_17 : i32 to vector<16xi32>
      %add3A_19 = arith.addi %add3A_10, %add3A_18 : vector<16xi32>
      %gather3A_20 = tpu.vector_load_idx %arg5[%add3A_19] : memref<352xf32, #tpu.memory_space<vmem>>[vector<16xi32>], vector<16xf32>,
      %mul3A_21 = arith.mulf %gather3A_20, %get3A_4 : vector<16xf32>
      %add3A_22 = arith.constant 3 : i32
      %add3A_23 = vector.broadcast %add3A_22 : i32 to vector<16xi32>
      %add3A_24 = arith.addi %add3A_10, %add3A_23 : vector<16xi32>
      %gather3A_25 = tpu.vector_load_idx %arg5[%add3A_24] : memref<352xf32, #tpu.memory_space<vmem>>[vector<16xi32>], vector<16xf32>,
      %mul3A_26 = arith.mulf %gather3A_25, %get3A_6 : vector<16xf32>
      %add3A_27 = arith.addf %mul3A_11, %mul3A_21 : vector<16xf32>
      %mul3A_28 = arith.constant 5.000000e-01 : f32
      %mul3A_29 = vector.broadcast %mul3A_28 : f32 to vector<16xf32>
      %mul3A_30 = arith.mulf %add3A_27, %mul3A_29 : vector<16xf32>
      %add3A_31 = arith.addf %mul3A_16, %mul3A_26 : vector<16xf32>
      %mul3A_32 = arith.constant 5.000000e-01 : f32
      %mul3A_33 = vector.broadcast %mul3A_32 : f32 to vector<16xf32>
      %mul3A_34 = arith.mulf %add3A_31, %mul3A_33 : vector<16xf32>
      %convert_element_type3A_35 = arith.fptosi %mul3A_30 : vector<16xf32> to vector<16xi32>
      %jit3A = arith.constant 0 : i32
      %jit3A_36 = arith.constant 63 : i32
      %max3A = vector.broadcast %jit3A : i32 to vector<16xi32>
      %max3A_37 = arith.maxsi %max3A, %convert_element_type3A_35 : vector<16xi32>
      %min3A = vector.broadcast %jit3A_36 : i32 to vector<16xi32>
      %min3A_38 = arith.minsi %min3A, %max3A_37 : vector<16xi32>
      %convert_element_type3A_39 = arith.fptosi %mul3A_34 : vector<16xf32> to vector<16xi32>
      %jit3A_40 = arith.constant 0 : i32
      %jit3A_41 = arith.constant 63 : i32
      %max3A_42 = vector.broadcast %jit3A_40 : i32 to vector<16xi32>
      %max3A_43 = arith.maxsi %max3A_42, %convert_element_type3A_39 : vector<16xi32>
      %min3A_44 = vector.broadcast %jit3A_41 : i32 to vector<16xi32>
      %min3A_45 = arith.minsi %min3A_44, %max3A_43 : vector<16xi32>
      %convert_element_type3A_46 = arith.sitofp %min3A_38 : vector<16xi32> to vector<16xf32>
      %sub3A = arith.subf %mul3A_30, %convert_element_type3A_46 : vector<16xf32>
      %convert_element_type3A_47 = arith.sitofp %min3A_45 : vector<16xi32> to vector<16xf32>
      %sub3A_48 = arith.subf %mul3A_34, %convert_element_type3A_47 : vector<16xf32>
      %sub3A_49 = arith.subf %mul3A_21, %mul3A_11 : vector<16xf32>
      %mul3A_50 = arith.constant 1.562500e-02 : f32
      %mul3A_51 = vector.broadcast %mul3A_50 : f32 to vector<16xf32>
      %mul3A_52 = arith.mulf %sub3A_49, %mul3A_51 : vector<16xf32>
      %sub3A_53 = arith.subf %mul3A_26, %mul3A_16 : vector<16xf32>
      %mul3A_54 = arith.constant 1.562500e-02 : f32
      %mul3A_55 = vector.broadcast %mul3A_54 : f32 to vector<16xf32>
      %mul3A_56 = arith.mulf %sub3A_53, %mul3A_55 : vector<16xf32>
      %mul3A_57 = arith.constant 64 : i32
      %mul3A_58 = vector.broadcast %mul3A_57 : i32 to vector<16xi32>
      %mul3A_59 = arith.muli %min3A_45, %mul3A_58 : vector<16xi32>
      %add3A_60 = arith.addi %mul3A_59, %min3A_38 : vector<16xi32>
      %and3A_61 = arith.constant 1 : i32
      %and3A_62 = vector.broadcast %and3A_61 : i32 to vector<16xi32>
      %and3A_63 = arith.andi %min3A_45, %and3A_62 : vector<16xi32>
      %mul3A_64 = arith.constant 64 : i32
      %mul3A_65 = vector.broadcast %mul3A_64 : i32 to vector<16xi32>
      %mul3A_66 = arith.muli %and3A_63, %mul3A_65 : vector<16xi32>
      %add3A_67 = arith.addi %mul3A_66, %min3A_38 : vector<16xi32>
      %get3A_68 = arith.constant 256 : index
      %get3A_69 = tpu.vector_load %arg5[%get3A_68] {strides = array<i32>} : memref<352xf32, #tpu.memory_space<vmem>>, vector<16xf32>,
      %add3A_70 = arith.constant 0 : i32
      %add3A_71 = vector.broadcast %add3A_70 : i32 to vector<16xi32>
      %add3A_72 = arith.addi %add3A_71, %iota3A : vector<16xi32>
      %mul3A_73 = arith.constant 192 : i32
      %mul3A_74 = vector.broadcast %mul3A_73 : i32 to vector<16xi32>
      %mul3A_75 = arith.muli %add3A_72, %mul3A_74 : vector<16xi32>
      %shift_right_arithmetic3A = arith.constant 1 : i32
      %shift_right_arithmetic3A_76 = vector.broadcast %shift_right_arithmetic3A : i32 to vector<16xi32>
      %shift_right_arithmetic3A_77 = arith.shrsi %min3A_45, %shift_right_arithmetic3A_76 : vector<16xi32>
      %add3A_78 = arith.addi %mul3A_75, %shift_right_arithmetic3A_77 : vector<16xi32>
      %mul3A_79 = arith.constant 4 : i32
      %mul3A_80 = vector.broadcast %mul3A_79 : i32 to vector<16xi32>
      %mul3A_81 = arith.muli %iota3A, %mul3A_80 : vector<16xi32>
      %add3A_82 = arith.constant 64 : i32
      %add3A_83 = vector.broadcast %add3A_82 : i32 to vector<16xi32>
      %add3A_84 = arith.addi %add3A_83, %mul3A_81 : vector<16xi32>
      %gather3A_85 = tpu.vector_load_idx %arg5[%add3A_84] : memref<352xf32, #tpu.memory_space<vmem>>[vector<16xi32>], vector<16xf32>,
      %mul3A_86 = arith.mulf %gather3A_85, %get3A_4 : vector<16xf32>
      %add3A_87 = arith.constant 1 : i32
      %add3A_88 = vector.broadcast %add3A_87 : i32 to vector<16xi32>
      %add3A_89 = arith.addi %add3A_84, %add3A_88 : vector<16xi32>
      %gather3A_90 = tpu.vector_load_idx %arg5[%add3A_89] : memref<352xf32, #tpu.memory_space<vmem>>[vector<16xi32>], vector<16xf32>,
      %mul3A_91 = arith.mulf %gather3A_90, %get3A_6 : vector<16xf32>
      %add3A_92 = arith.constant 2 : i32
      %add3A_93 = vector.broadcast %add3A_92 : i32 to vector<16xi32>
      %add3A_94 = arith.addi %add3A_84, %add3A_93 : vector<16xi32>
      %gather3A_95 = tpu.vector_load_idx %arg5[%add3A_94] : memref<352xf32, #tpu.memory_space<vmem>>[vector<16xi32>], vector<16xf32>,
      %mul3A_96 = arith.mulf %gather3A_95, %get3A_4 : vector<16xf32>
      %add3A_97 = arith.constant 3 : i32
      %add3A_98 = vector.broadcast %add3A_97 : i32 to vector<16xi32>
      %add3A_99 = arith.addi %add3A_84, %add3A_98 : vector<16xi32>
      %gather3A_100 = tpu.vector_load_idx %arg5[%add3A_99] : memref<352xf32, #tpu.memory_space<vmem>>[vector<16xi32>], vector<16xf32>,
      %mul3A_101 = arith.mulf %gather3A_100, %get3A_6 : vector<16xf32>
      %add3A_102 = arith.addf %mul3A_86, %mul3A_96 : vector<16xf32>
      %mul3A_103 = arith.constant 5.000000e-01 : f32
      %mul3A_104 = vector.broadcast %mul3A_103 : f32 to vector<16xf32>
      %mul3A_105 = arith.mulf %add3A_102, %mul3A_104 : vector<16xf32>
      %add3A_106 = arith.addf %mul3A_91, %mul3A_101 : vector<16xf32>
      %mul3A_107 = arith.constant 5.000000e-01 : f32
      %mul3A_108 = vector.broadcast %mul3A_107 : f32 to vector<16xf32>
      %mul3A_109 = arith.mulf %add3A_106, %mul3A_108 : vector<16xf32>
      %convert_element_type3A_110 = arith.fptosi %mul3A_105 : vector<16xf32> to vector<16xi32>
      %jit3A_111 = arith.constant 0 : i32
      %jit3A_112 = arith.constant 63 : i32
      %max3A_113 = vector.broadcast %jit3A_111 : i32 to vector<16xi32>
      %max3A_114 = arith.maxsi %max3A_113, %convert_element_type3A_110 : vector<16xi32>
      %min3A_115 = vector.broadcast %jit3A_112 : i32 to vector<16xi32>
      %min3A_116 = arith.minsi %min3A_115, %max3A_114 : vector<16xi32>
      %convert_element_type3A_117 = arith.fptosi %mul3A_109 : vector<16xf32> to vector<16xi32>
      %jit3A_118 = arith.constant 0 : i32
      %jit3A_119 = arith.constant 63 : i32
      %max3A_120 = vector.broadcast %jit3A_118 : i32 to vector<16xi32>
      %max3A_121 = arith.maxsi %max3A_120, %convert_element_type3A_117 : vector<16xi32>
      %min3A_122 = vector.broadcast %jit3A_119 : i32 to vector<16xi32>
      %min3A_123 = arith.minsi %min3A_122, %max3A_121 : vector<16xi32>
      %convert_element_type3A_124 = arith.sitofp %min3A_116 : vector<16xi32> to vector<16xf32>
      %sub3A_125 = arith.subf %mul3A_105, %convert_element_type3A_124 : vector<16xf32>
      %convert_element_type3A_126 = arith.sitofp %min3A_123 : vector<16xi32> to vector<16xf32>
      %sub3A_127 = arith.subf %mul3A_109, %convert_element_type3A_126 : vector<16xf32>
      %sub3A_128 = arith.subf %mul3A_96, %mul3A_86 : vector<16xf32>
      %mul3A_129 = arith.constant 1.562500e-02 : f32
      %mul3A_130 = vector.broadcast %mul3A_129 : f32 to vector<16xf32>
      %mul3A_131 = arith.mulf %sub3A_128, %mul3A_130 : vector<16xf32>
      %sub3A_132 = arith.subf %mul3A_101, %mul3A_91 : vector<16xf32>
      %mul3A_133 = arith.constant 1.562500e-02 : f32
      %mul3A_134 = vector.broadcast %mul3A_133 : f32 to vector<16xf32>
      %mul3A_135 = arith.mulf %sub3A_132, %mul3A_134 : vector<16xf32>
      %mul3A_136 = arith.constant 64 : i32
      %mul3A_137 = vector.broadcast %mul3A_136 : i32 to vector<16xi32>
      %mul3A_138 = arith.muli %min3A_123, %mul3A_137 : vector<16xi32>
      %add3A_139 = arith.addi %mul3A_138, %min3A_116 : vector<16xi32>
      %and3A_140 = arith.constant 1 : i32
      %and3A_141 = vector.broadcast %and3A_140 : i32 to vector<16xi32>
      %and3A_142 = arith.andi %min3A_123, %and3A_141 : vector<16xi32>
      %mul3A_143 = arith.constant 64 : i32
      %mul3A_144 = vector.broadcast %mul3A_143 : i32 to vector<16xi32>
      %mul3A_145 = arith.muli %and3A_142, %mul3A_144 : vector<16xi32>
      %add3A_146 = arith.addi %mul3A_145, %min3A_116 : vector<16xi32>
      %get3A_147 = arith.constant 272 : index
      %get3A_148 = tpu.vector_load %arg5[%get3A_147] {strides = array<i32>} : memref<352xf32, #tpu.memory_space<vmem>>, vector<16xf32>,
      %add3A_149 = arith.constant 16 : i32
      %add3A_150 = vector.broadcast %add3A_149 : i32 to vector<16xi32>
      %add3A_151 = arith.addi %add3A_150, %iota3A : vector<16xi32>
      %mul3A_152 = arith.constant 192 : i32
      %mul3A_153 = vector.broadcast %mul3A_152 : i32 to vector<16xi32>
      %mul3A_154 = arith.muli %add3A_151, %mul3A_153 : vector<16xi32>
      %shift_right_arithmetic3A_155 = arith.constant 1 : i32
      %shift_right_arithmetic3A_156 = vector.broadcast %shift_right_arithmetic3A_155 : i32 to vector<16xi32>
      %shift_right_arithmetic3A_157 = arith.shrsi %min3A_123, %shift_right_arithmetic3A_156 : vector<16xi32>
      %add3A_158 = arith.addi %mul3A_154, %shift_right_arithmetic3A_157 : vector<16xi32>
      %mul3A_159 = arith.constant 4 : i32
      %mul3A_160 = vector.broadcast %mul3A_159 : i32 to vector<16xi32>
      %mul3A_161 = arith.muli %iota3A, %mul3A_160 : vector<16xi32>
      %add3A_162 = arith.constant 128 : i32
      %add3A_163 = vector.broadcast %add3A_162 : i32 to vector<16xi32>
      %add3A_164 = arith.addi %add3A_163, %mul3A_161 : vector<16xi32>
      %gather3A_165 = tpu.vector_load_idx %arg5[%add3A_164] : memref<352xf32, #tpu.memory_space<vmem>>[vector<16xi32>], vector<16xf32>,
      %mul3A_166 = arith.mulf %gather3A_165, %get3A_4 : vector<16xf32>
      %add3A_167 = arith.constant 1 : i32
      %add3A_168 = vector.broadcast %add3A_167 : i32 to vector<16xi32>
      %add3A_169 = arith.addi %add3A_164, %add3A_168 : vector<16xi32>
      %gather3A_170 = tpu.vector_load_idx %arg5[%add3A_169] : memref<352xf32, #tpu.memory_space<vmem>>[vector<16xi32>], vector<16xf32>,
      %mul3A_171 = arith.mulf %gather3A_170, %get3A_6 : vector<16xf32>
      %add3A_172 = arith.constant 2 : i32
      %add3A_173 = vector.broadcast %add3A_172 : i32 to vector<16xi32>
      %add3A_174 = arith.addi %add3A_164, %add3A_173 : vector<16xi32>
      %gather3A_175 = tpu.vector_load_idx %arg5[%add3A_174] : memref<352xf32, #tpu.memory_space<vmem>>[vector<16xi32>], vector<16xf32>,
      %mul3A_176 = arith.mulf %gather3A_175, %get3A_4 : vector<16xf32>
      %add3A_177 = arith.constant 3 : i32
      %add3A_178 = vector.broadcast %add3A_177 : i32 to vector<16xi32>
      %add3A_179 = arith.addi %add3A_164, %add3A_178 : vector<16xi32>
      %gather3A_180 = tpu.vector_load_idx %arg5[%add3A_179] : memref<352xf32, #tpu.memory_space<vmem>>[vector<16xi32>], vector<16xf32>,
      %mul3A_181 = arith.mulf %gather3A_180, %get3A_6 : vector<16xf32>
      %add3A_182 = arith.addf %mul3A_166, %mul3A_176 : vector<16xf32>
      %mul3A_183 = arith.constant 5.000000e-01 : f32
      %mul3A_184 = vector.broadcast %mul3A_183 : f32 to vector<16xf32>
      %mul3A_185 = arith.mulf %add3A_182, %mul3A_184 : vector<16xf32>
      %add3A_186 = arith.addf %mul3A_171, %mul3A_181 : vector<16xf32>
      %mul3A_187 = arith.constant 5.000000e-01 : f32
      %mul3A_188 = vector.broadcast %mul3A_187 : f32 to vector<16xf32>
      %mul3A_189 = arith.mulf %add3A_186, %mul3A_188 : vector<16xf32>
      %convert_element_type3A_190 = arith.fptosi %mul3A_185 : vector<16xf32> to vector<16xi32>
      %jit3A_191 = arith.constant 0 : i32
      %jit3A_192 = arith.constant 63 : i32
      %max3A_193 = vector.broadcast %jit3A_191 : i32 to vector<16xi32>
      %max3A_194 = arith.maxsi %max3A_193, %convert_element_type3A_190 : vector<16xi32>
      %min3A_195 = vector.broadcast %jit3A_192 : i32 to vector<16xi32>
      %min3A_196 = arith.minsi %min3A_195, %max3A_194 : vector<16xi32>
      %convert_element_type3A_197 = arith.fptosi %mul3A_189 : vector<16xf32> to vector<16xi32>
      %jit3A_198 = arith.constant 0 : i32
      %jit3A_199 = arith.constant 63 : i32
      %max3A_200 = vector.broadcast %jit3A_198 : i32 to vector<16xi32>
      %max3A_201 = arith.maxsi %max3A_200, %convert_element_type3A_197 : vector<16xi32>
      %min3A_202 = vector.broadcast %jit3A_199 : i32 to vector<16xi32>
      %min3A_203 = arith.minsi %min3A_202, %max3A_201 : vector<16xi32>
      %convert_element_type3A_204 = arith.sitofp %min3A_196 : vector<16xi32> to vector<16xf32>
      %sub3A_205 = arith.subf %mul3A_185, %convert_element_type3A_204 : vector<16xf32>
      %convert_element_type3A_206 = arith.sitofp %min3A_203 : vector<16xi32> to vector<16xf32>
      %sub3A_207 = arith.subf %mul3A_189, %convert_element_type3A_206 : vector<16xf32>
      %sub3A_208 = arith.subf %mul3A_176, %mul3A_166 : vector<16xf32>
      %mul3A_209 = arith.constant 1.562500e-02 : f32
      %mul3A_210 = vector.broadcast %mul3A_209 : f32 to vector<16xf32>
      %mul3A_211 = arith.mulf %sub3A_208, %mul3A_210 : vector<16xf32>
      %sub3A_212 = arith.subf %mul3A_181, %mul3A_171 : vector<16xf32>
      %mul3A_213 = arith.constant 1.562500e-02 : f32
      %mul3A_214 = vector.broadcast %mul3A_213 : f32 to vector<16xf32>
      %mul3A_215 = arith.mulf %sub3A_212, %mul3A_214 : vector<16xf32>
      %mul3A_216 = arith.constant 64 : i32
      %mul3A_217 = vector.broadcast %mul3A_216 : i32 to vector<16xi32>
      %mul3A_218 = arith.muli %min3A_203, %mul3A_217 : vector<16xi32>
      %add3A_219 = arith.addi %mul3A_218, %min3A_196 : vector<16xi32>
      %and3A_220 = arith.constant 1 : i32
      %and3A_221 = vector.broadcast %and3A_220 : i32 to vector<16xi32>
      %and3A_222 = arith.andi %min3A_203, %and3A_221 : vector<16xi32>
      %mul3A_223 = arith.constant 64 : i32
      %mul3A_224 = vector.broadcast %mul3A_223 : i32 to vector<16xi32>
      %mul3A_225 = arith.muli %and3A_222, %mul3A_224 : vector<16xi32>
      %add3A_226 = arith.addi %mul3A_225, %min3A_196 : vector<16xi32>
      %get3A_227 = arith.constant 288 : index
      %get3A_228 = tpu.vector_load %arg5[%get3A_227] {strides = array<i32>} : memref<352xf32, #tpu.memory_space<vmem>>, vector<16xf32>,
      %add3A_229 = arith.constant 0 : i32
      %add3A_230 = vector.broadcast %add3A_229 : i32 to vector<16xi32>
      %add3A_231 = arith.addi %add3A_230, %iota3A : vector<16xi32>
      %mul3A_232 = arith.constant 192 : i32
      %mul3A_233 = vector.broadcast %mul3A_232 : i32 to vector<16xi32>
      %mul3A_234 = arith.muli %add3A_231, %mul3A_233 : vector<16xi32>
      %shift_right_arithmetic3A_235 = arith.constant 1 : i32
      %shift_right_arithmetic3A_236 = vector.broadcast %shift_right_arithmetic3A_235 : i32 to vector<16xi32>
      %shift_right_arithmetic3A_237 = arith.shrsi %min3A_203, %shift_right_arithmetic3A_236 : vector<16xi32>
      %add3A_238 = arith.addi %mul3A_234, %shift_right_arithmetic3A_237 : vector<16xi32>
      %mul3A_239 = arith.constant 4 : i32
      %mul3A_240 = vector.broadcast %mul3A_239 : i32 to vector<16xi32>
      %mul3A_241 = arith.muli %iota3A, %mul3A_240 : vector<16xi32>
      %add3A_242 = arith.constant 192 : i32
      %add3A_243 = vector.broadcast %add3A_242 : i32 to vector<16xi32>
      %add3A_244 = arith.addi %add3A_243, %mul3A_241 : vector<16xi32>
      %gather3A_245 = tpu.vector_load_idx %arg5[%add3A_244] : memref<352xf32, #tpu.memory_space<vmem>>[vector<16xi32>], vector<16xf32>,
      %mul3A_246 = arith.mulf %gather3A_245, %get3A_4 : vector<16xf32>
      %add3A_247 = arith.constant 1 : i32
      %add3A_248 = vector.broadcast %add3A_247 : i32 to vector<16xi32>
      %add3A_249 = arith.addi %add3A_244, %add3A_248 : vector<16xi32>
      %gather3A_250 = tpu.vector_load_idx %arg5[%add3A_249] : memref<352xf32, #tpu.memory_space<vmem>>[vector<16xi32>], vector<16xf32>,
      %mul3A_251 = arith.mulf %gather3A_250, %get3A_6 : vector<16xf32>
      %add3A_252 = arith.constant 2 : i32
      %add3A_253 = vector.broadcast %add3A_252 : i32 to vector<16xi32>
      %add3A_254 = arith.addi %add3A_244, %add3A_253 : vector<16xi32>
      %gather3A_255 = tpu.vector_load_idx %arg5[%add3A_254] : memref<352xf32, #tpu.memory_space<vmem>>[vector<16xi32>], vector<16xf32>,
      %mul3A_256 = arith.mulf %gather3A_255, %get3A_4 : vector<16xf32>
      %add3A_257 = arith.constant 3 : i32
      %add3A_258 = vector.broadcast %add3A_257 : i32 to vector<16xi32>
      %add3A_259 = arith.addi %add3A_244, %add3A_258 : vector<16xi32>
      %gather3A_260 = tpu.vector_load_idx %arg5[%add3A_259] : memref<352xf32, #tpu.memory_space<vmem>>[vector<16xi32>], vector<16xf32>,
      %mul3A_261 = arith.mulf %gather3A_260, %get3A_6 : vector<16xf32>
      %add3A_262 = arith.addf %mul3A_246, %mul3A_256 : vector<16xf32>
      %mul3A_263 = arith.constant 5.000000e-01 : f32
      %mul3A_264 = vector.broadcast %mul3A_263 : f32 to vector<16xf32>
      %mul3A_265 = arith.mulf %add3A_262, %mul3A_264 : vector<16xf32>
      %add3A_266 = arith.addf %mul3A_251, %mul3A_261 : vector<16xf32>
      %mul3A_267 = arith.constant 5.000000e-01 : f32
      %mul3A_268 = vector.broadcast %mul3A_267 : f32 to vector<16xf32>
      %mul3A_269 = arith.mulf %add3A_266, %mul3A_268 : vector<16xf32>
      %convert_element_type3A_270 = arith.fptosi %mul3A_265 : vector<16xf32> to vector<16xi32>
      %jit3A_271 = arith.constant 0 : i32
      %jit3A_272 = arith.constant 63 : i32
      %max3A_273 = vector.broadcast %jit3A_271 : i32 to vector<16xi32>
      %max3A_274 = arith.maxsi %max3A_273, %convert_element_type3A_270 : vector<16xi32>
      %min3A_275 = vector.broadcast %jit3A_272 : i32 to vector<16xi32>
      %min3A_276 = arith.minsi %min3A_275, %max3A_274 : vector<16xi32>
      %convert_element_type3A_277 = arith.fptosi %mul3A_269 : vector<16xf32> to vector<16xi32>
      %jit3A_278 = arith.constant 0 : i32
      %jit3A_279 = arith.constant 63 : i32
      %max3A_280 = vector.broadcast %jit3A_278 : i32 to vector<16xi32>
      %max3A_281 = arith.maxsi %max3A_280, %convert_element_type3A_277 : vector<16xi32>
      %min3A_282 = vector.broadcast %jit3A_279 : i32 to vector<16xi32>
      %min3A_283 = arith.minsi %min3A_282, %max3A_281 : vector<16xi32>
      %convert_element_type3A_284 = arith.sitofp %min3A_276 : vector<16xi32> to vector<16xf32>
      %sub3A_285 = arith.subf %mul3A_265, %convert_element_type3A_284 : vector<16xf32>
      %convert_element_type3A_286 = arith.sitofp %min3A_283 : vector<16xi32> to vector<16xf32>
      %sub3A_287 = arith.subf %mul3A_269, %convert_element_type3A_286 : vector<16xf32>
      %sub3A_288 = arith.subf %mul3A_256, %mul3A_246 : vector<16xf32>
      %mul3A_289 = arith.constant 1.562500e-02 : f32
      %mul3A_290 = vector.broadcast %mul3A_289 : f32 to vector<16xf32>
      %mul3A_291 = arith.mulf %sub3A_288, %mul3A_290 : vector<16xf32>
      %sub3A_292 = arith.subf %mul3A_261, %mul3A_251 : vector<16xf32>
      %mul3A_293 = arith.constant 1.562500e-02 : f32
      %mul3A_294 = vector.broadcast %mul3A_293 : f32 to vector<16xf32>
      %mul3A_295 = arith.mulf %sub3A_292, %mul3A_294 : vector<16xf32>
      %mul3A_296 = arith.constant 64 : i32
      %mul3A_297 = vector.broadcast %mul3A_296 : i32 to vector<16xi32>
      %mul3A_298 = arith.muli %min3A_283, %mul3A_297 : vector<16xi32>
      %add3A_299 = arith.addi %mul3A_298, %min3A_276 : vector<16xi32>
      %and3A_300 = arith.constant 1 : i32
      %and3A_301 = vector.broadcast %and3A_300 : i32 to vector<16xi32>
      %and3A_302 = arith.andi %min3A_283, %and3A_301 : vector<16xi32>
      %mul3A_303 = arith.constant 64 : i32
      %mul3A_304 = vector.broadcast %mul3A_303 : i32 to vector<16xi32>
      %mul3A_305 = arith.muli %and3A_302, %mul3A_304 : vector<16xi32>
      %add3A_306 = arith.addi %mul3A_305, %min3A_276 : vector<16xi32>
      %get3A_307 = arith.constant 304 : index
      %get3A_308 = tpu.vector_load %arg5[%get3A_307] {strides = array<i32>} : memref<352xf32, #tpu.memory_space<vmem>>, vector<16xf32>,
      %add3A_309 = arith.constant 16 : i32
      %add3A_310 = vector.broadcast %add3A_309 : i32 to vector<16xi32>
      %add3A_311 = arith.addi %add3A_310, %iota3A : vector<16xi32>
      %mul3A_312 = arith.constant 192 : i32
      %mul3A_313 = vector.broadcast %mul3A_312 : i32 to vector<16xi32>
      %mul3A_314 = arith.muli %add3A_311, %mul3A_313 : vector<16xi32>
      %shift_right_arithmetic3A_315 = arith.constant 1 : i32
      %shift_right_arithmetic3A_316 = vector.broadcast %shift_right_arithmetic3A_315 : i32 to vector<16xi32>
      %shift_right_arithmetic3A_317 = arith.shrsi %min3A_283, %shift_right_arithmetic3A_316 : vector<16xi32>
      %add3A_318 = arith.addi %mul3A_314, %shift_right_arithmetic3A_317 : vector<16xi32>
      %eq3A_319 = arith.cmpi eq, %add3A_60, %add3A_219 : vector<16xi32>
      %gt3A = arith.constant 5.000000e-01 : f32
      %gt3A_320 = vector.broadcast %gt3A : f32 to vector<16xf32>
      %gt3A_321 = arith.cmpf ogt, %get3A_69, %gt3A_320 : vector<16xf32>
      %gt3A_322 = arith.constant 5.000000e-01 : f32
      %gt3A_323 = vector.broadcast %gt3A_322 : f32 to vector<16xf32>
      %gt3A_324 = arith.cmpf ogt, %get3A_228, %gt3A_323 : vector<16xf32>
      %and3A_325 = arith.andi %gt3A_321, %gt3A_324 : vector<16xi1>
      %and3A_326 = arith.andi %eq3A_319, %and3A_325 : vector<16xi1>
      %convert_element_type3A_327 = arith.extui %and3A_326 : vector<16xi1> to vector<16xi32>
      %convert_element_type3A_328 = arith.sitofp %convert_element_type3A_327 : vector<16xi32> to vector<16xf32>
      %sub3A_329 = arith.constant 1.000000e+00 : f32
      %sub3A_330 = vector.broadcast %sub3A_329 : f32 to vector<16xf32>
      %sub3A_331 = arith.subf %sub3A_330, %convert_element_type3A_328 : vector<16xf32>
      %mul3A_332 = arith.mulf %get3A_69, %sub3A_331 : vector<16xf32>
      %eq3A_333 = arith.cmpi eq, %add3A_139, %add3A_299 : vector<16xi32>
      %gt3A_334 = arith.constant 5.000000e-01 : f32
      %gt3A_335 = vector.broadcast %gt3A_334 : f32 to vector<16xf32>
      %gt3A_336 = arith.cmpf ogt, %get3A_148, %gt3A_335 : vector<16xf32>
      %gt3A_337 = arith.constant 5.000000e-01 : f32
      %gt3A_338 = vector.broadcast %gt3A_337 : f32 to vector<16xf32>
      %gt3A_339 = arith.cmpf ogt, %get3A_308, %gt3A_338 : vector<16xf32>
      %and3A_340 = arith.andi %gt3A_336, %gt3A_339 : vector<16xi1>
      %and3A_341 = arith.andi %eq3A_333, %and3A_340 : vector<16xi1>
      %convert_element_type3A_342 = arith.extui %and3A_341 : vector<16xi1> to vector<16xi32>
      %convert_element_type3A_343 = arith.sitofp %convert_element_type3A_342 : vector<16xi32> to vector<16xf32>
      %sub3A_344 = arith.constant 1.000000e+00 : f32
      %sub3A_345 = vector.broadcast %sub3A_344 : f32 to vector<16xf32>
      %sub3A_346 = arith.subf %sub3A_345, %convert_element_type3A_343 : vector<16xf32>
      %mul3A_347 = arith.mulf %get3A_148, %sub3A_346 : vector<16xf32>
      %add3A_348 = arith.constant 0 : i32
      %add3A_349 = vector.broadcast %add3A_348 : i32 to vector<16xi32>
      %add3A_350 = arith.addi %add3A_78, %add3A_349 : vector<16xi32>
      %swap3A = arith.constant 0 : index
      %swap3A_351 = tpu.vector_load %arg6[%swap3A] {strides = array<i32>} : memref<384xi32, #tpu.memory_space<vmem>>, vector<16xi32>,
      tpu.vector_store %arg6[%swap3A], %add3A_350 {strides = array<i32>} : memref<384xi32, #tpu.memory_space<vmem>>, vector<16xi32>,
      %add3A_352 = arith.constant 0 : i32
      %add3A_353 = vector.broadcast %add3A_352 : i32 to vector<16xi32>
      %add3A_354 = arith.addi %add3A_158, %add3A_353 : vector<16xi32>
      %swap3A_355 = arith.constant 16 : index
      %swap3A_356 = tpu.vector_load %arg6[%swap3A_355] {strides = array<i32>} : memref<384xi32, #tpu.memory_space<vmem>>, vector<16xi32>,
      tpu.vector_store %arg6[%swap3A_355], %add3A_354 {strides = array<i32>} : memref<384xi32, #tpu.memory_space<vmem>>, vector<16xi32>,
      %add3A_357 = arith.constant 0 : i32
      %add3A_358 = vector.broadcast %add3A_357 : i32 to vector<16xi32>
      %add3A_359 = arith.addi %add3A_238, %add3A_358 : vector<16xi32>
      %swap3A_360 = arith.constant 32 : index
      %swap3A_361 = tpu.vector_load %arg6[%swap3A_360] {strides = array<i32>} : memref<384xi32, #tpu.memory_space<vmem>>, vector<16xi32>,
      tpu.vector_store %arg6[%swap3A_360], %add3A_359 {strides = array<i32>} : memref<384xi32, #tpu.memory_space<vmem>>, vector<16xi32>,
      %add3A_362 = arith.constant 0 : i32
      %add3A_363 = vector.broadcast %add3A_362 : i32 to vector<16xi32>
      %add3A_364 = arith.addi %add3A_318, %add3A_363 : vector<16xi32>
      %swap3A_365 = arith.constant 48 : index
      %swap3A_366 = tpu.vector_load %arg6[%swap3A_365] {strides = array<i32>} : memref<384xi32, #tpu.memory_space<vmem>>, vector<16xi32>,
      tpu.vector_store %arg6[%swap3A_365], %add3A_364 {strides = array<i32>} : memref<384xi32, #tpu.memory_space<vmem>>, vector<16xi32>,
      %add3A_367 = arith.constant 32 : i32
      %add3A_368 = vector.broadcast %add3A_367 : i32 to vector<16xi32>
      %add3A_369 = arith.addi %add3A_78, %add3A_368 : vector<16xi32>
      %swap3A_370 = arith.constant 64 : index
      %swap3A_371 = tpu.vector_load %arg6[%swap3A_370] {strides = array<i32>} : memref<384xi32, #tpu.memory_space<vmem>>, vector<16xi32>,
      tpu.vector_store %arg6[%swap3A_370], %add3A_369 {strides = array<i32>} : memref<384xi32, #tpu.memory_space<vmem>>, vector<16xi32>,
      %add3A_372 = arith.constant 32 : i32
      %add3A_373 = vector.broadcast %add3A_372 : i32 to vector<16xi32>
      %add3A_374 = arith.addi %add3A_158, %add3A_373 : vector<16xi32>
      %swap3A_375 = arith.constant 80 : index
      %swap3A_376 = tpu.vector_load %arg6[%swap3A_375] {strides = array<i32>} : memref<384xi32, #tpu.memory_space<vmem>>, vector<16xi32>,
      tpu.vector_store %arg6[%swap3A_375], %add3A_374 {strides = array<i32>} : memref<384xi32, #tpu.memory_space<vmem>>, vector<16xi32>,
      %add3A_377 = arith.constant 32 : i32
      %add3A_378 = vector.broadcast %add3A_377 : i32 to vector<16xi32>
      %add3A_379 = arith.addi %add3A_238, %add3A_378 : vector<16xi32>
      %swap3A_380 = arith.constant 96 : index
      %swap3A_381 = tpu.vector_load %arg6[%swap3A_380] {strides = array<i32>} : memref<384xi32, #tpu.memory_space<vmem>>, vector<16xi32>,
      tpu.vector_store %arg6[%swap3A_380], %add3A_379 {strides = array<i32>} : memref<384xi32, #tpu.memory_space<vmem>>, vector<16xi32>,
      %add3A_382 = arith.constant 32 : i32
      %add3A_383 = vector.broadcast %add3A_382 : i32 to vector<16xi32>
      %add3A_384 = arith.addi %add3A_318, %add3A_383 : vector<16xi32>
      %swap3A_385 = arith.constant 112 : index
      %swap3A_386 = tpu.vector_load %arg6[%swap3A_385] {strides = array<i32>} : memref<384xi32, #tpu.memory_space<vmem>>, vector<16xi32>,
      tpu.vector_store %arg6[%swap3A_385], %add3A_384 {strides = array<i32>} : memref<384xi32, #tpu.memory_space<vmem>>, vector<16xi32>,
      %add3A_387 = arith.constant 64 : i32
      %add3A_388 = vector.broadcast %add3A_387 : i32 to vector<16xi32>
      %add3A_389 = arith.addi %add3A_78, %add3A_388 : vector<16xi32>
      %swap3A_390 = arith.constant 128 : index
      %swap3A_391 = tpu.vector_load %arg6[%swap3A_390] {strides = array<i32>} : memref<384xi32, #tpu.memory_space<vmem>>, vector<16xi32>,
      tpu.vector_store %arg6[%swap3A_390], %add3A_389 {strides = array<i32>} : memref<384xi32, #tpu.memory_space<vmem>>, vector<16xi32>,
      %add3A_392 = arith.constant 64 : i32
      %add3A_393 = vector.broadcast %add3A_392 : i32 to vector<16xi32>
      %add3A_394 = arith.addi %add3A_158, %add3A_393 : vector<16xi32>
      %swap3A_395 = arith.constant 144 : index
      %swap3A_396 = tpu.vector_load %arg6[%swap3A_395] {strides = array<i32>} : memref<384xi32, #tpu.memory_space<vmem>>, vector<16xi32>,
      tpu.vector_store %arg6[%swap3A_395], %add3A_394 {strides = array<i32>} : memref<384xi32, #tpu.memory_space<vmem>>, vector<16xi32>,
      %add3A_397 = arith.constant 64 : i32
      %add3A_398 = vector.broadcast %add3A_397 : i32 to vector<16xi32>
      %add3A_399 = arith.addi %add3A_238, %add3A_398 : vector<16xi32>
      %swap3A_400 = arith.constant 160 : index
      %swap3A_401 = tpu.vector_load %arg6[%swap3A_400] {strides = array<i32>} : memref<384xi32, #tpu.memory_space<vmem>>, vector<16xi32>,
      tpu.vector_store %arg6[%swap3A_400], %add3A_399 {strides = array<i32>} : memref<384xi32, #tpu.memory_space<vmem>>, vector<16xi32>,
      %add3A_402 = arith.constant 64 : i32
      %add3A_403 = vector.broadcast %add3A_402 : i32 to vector<16xi32>
      %add3A_404 = arith.addi %add3A_318, %add3A_403 : vector<16xi32>
      %swap3A_405 = arith.constant 176 : index
      %swap3A_406 = tpu.vector_load %arg6[%swap3A_405] {strides = array<i32>} : memref<384xi32, #tpu.memory_space<vmem>>, vector<16xi32>,
      tpu.vector_store %arg6[%swap3A_405], %add3A_404 {strides = array<i32>} : memref<384xi32, #tpu.memory_space<vmem>>, vector<16xi32>,
      %add3A_407 = arith.constant 96 : i32
      %add3A_408 = vector.broadcast %add3A_407 : i32 to vector<16xi32>
      %add3A_409 = arith.addi %add3A_78, %add3A_408 : vector<16xi32>
      %swap3A_410 = arith.constant 192 : index
      %swap3A_411 = tpu.vector_load %arg6[%swap3A_410] {strides = array<i32>} : memref<384xi32, #tpu.memory_space<vmem>>, vector<16xi32>,
      tpu.vector_store %arg6[%swap3A_410], %add3A_409 {strides = array<i32>} : memref<384xi32, #tpu.memory_space<vmem>>, vector<16xi32>,
      %add3A_412 = arith.constant 96 : i32
      %add3A_413 = vector.broadcast %add3A_412 : i32 to vector<16xi32>
      %add3A_414 = arith.addi %add3A_158, %add3A_413 : vector<16xi32>
      %swap3A_415 = arith.constant 208 : index
      %swap3A_416 = tpu.vector_load %arg6[%swap3A_415] {strides = array<i32>} : memref<384xi32, #tpu.memory_space<vmem>>, vector<16xi32>,
      tpu.vector_store %arg6[%swap3A_415], %add3A_414 {strides = array<i32>} : memref<384xi32, #tpu.memory_space<vmem>>, vector<16xi32>,
      %add3A_417 = arith.constant 96 : i32
      %add3A_418 = vector.broadcast %add3A_417 : i32 to vector<16xi32>
      %add3A_419 = arith.addi %add3A_238, %add3A_418 : vector<16xi32>
      %swap3A_420 = arith.constant 224 : index
      %swap3A_421 = tpu.vector_load %arg6[%swap3A_420] {strides = array<i32>} : memref<384xi32, #tpu.memory_space<vmem>>, vector<16xi32>,
      tpu.vector_store %arg6[%swap3A_420], %add3A_419 {strides = array<i32>} : memref<384xi32, #tpu.memory_space<vmem>>, vector<16xi32>,
      %add3A_422 = arith.constant 96 : i32
      %add3A_423 = vector.broadcast %add3A_422 : i32 to vector<16xi32>
      %add3A_424 = arith.addi %add3A_318, %add3A_423 : vector<16xi32>
      %swap3A_425 = arith.constant 240 : index
      %swap3A_426 = tpu.vector_load %arg6[%swap3A_425] {strides = array<i32>} : memref<384xi32, #tpu.memory_space<vmem>>, vector<16xi32>,
      tpu.vector_store %arg6[%swap3A_425], %add3A_424 {strides = array<i32>} : memref<384xi32, #tpu.memory_space<vmem>>, vector<16xi32>,
      %add3A_427 = arith.constant 128 : i32
      %add3A_428 = vector.broadcast %add3A_427 : i32 to vector<16xi32>
      %add3A_429 = arith.addi %add3A_78, %add3A_428 : vector<16xi32>
      %swap3A_430 = arith.constant 256 : index
      %swap3A_431 = tpu.vector_load %arg6[%swap3A_430] {strides = array<i32>} : memref<384xi32, #tpu.memory_space<vmem>>, vector<16xi32>,
      tpu.vector_store %arg6[%swap3A_430], %add3A_429 {strides = array<i32>} : memref<384xi32, #tpu.memory_space<vmem>>, vector<16xi32>,
      %add3A_432 = arith.constant 128 : i32
      %add3A_433 = vector.broadcast %add3A_432 : i32 to vector<16xi32>
      %add3A_434 = arith.addi %add3A_158, %add3A_433 : vector<16xi32>
      %swap3A_435 = arith.constant 272 : index
      %swap3A_436 = tpu.vector_load %arg6[%swap3A_435] {strides = array<i32>} : memref<384xi32, #tpu.memory_space<vmem>>, vector<16xi32>,
      tpu.vector_store %arg6[%swap3A_435], %add3A_434 {strides = array<i32>} : memref<384xi32, #tpu.memory_space<vmem>>, vector<16xi32>,
      %add3A_437 = arith.constant 128 : i32
      %add3A_438 = vector.broadcast %add3A_437 : i32 to vector<16xi32>
      %add3A_439 = arith.addi %add3A_238, %add3A_438 : vector<16xi32>
      %swap3A_440 = arith.constant 288 : index
      %swap3A_441 = tpu.vector_load %arg6[%swap3A_440] {strides = array<i32>} : memref<384xi32, #tpu.memory_space<vmem>>, vector<16xi32>,
      tpu.vector_store %arg6[%swap3A_440], %add3A_439 {strides = array<i32>} : memref<384xi32, #tpu.memory_space<vmem>>, vector<16xi32>,
      %add3A_442 = arith.constant 128 : i32
      %add3A_443 = vector.broadcast %add3A_442 : i32 to vector<16xi32>
      %add3A_444 = arith.addi %add3A_318, %add3A_443 : vector<16xi32>
      %swap3A_445 = arith.constant 304 : index
      %swap3A_446 = tpu.vector_load %arg6[%swap3A_445] {strides = array<i32>} : memref<384xi32, #tpu.memory_space<vmem>>, vector<16xi32>,
      tpu.vector_store %arg6[%swap3A_445], %add3A_444 {strides = array<i32>} : memref<384xi32, #tpu.memory_space<vmem>>, vector<16xi32>,
      %add3A_447 = arith.constant 160 : i32
      %add3A_448 = vector.broadcast %add3A_447 : i32 to vector<16xi32>
      %add3A_449 = arith.addi %add3A_78, %add3A_448 : vector<16xi32>
      %swap3A_450 = arith.constant 320 : index
      %swap3A_451 = tpu.vector_load %arg6[%swap3A_450] {strides = array<i32>} : memref<384xi32, #tpu.memory_space<vmem>>, vector<16xi32>,
      tpu.vector_store %arg6[%swap3A_450], %add3A_449 {strides = array<i32>} : memref<384xi32, #tpu.memory_space<vmem>>, vector<16xi32>,
      %add3A_452 = arith.constant 160 : i32
      %add3A_453 = vector.broadcast %add3A_452 : i32 to vector<16xi32>
      %add3A_454 = arith.addi %add3A_158, %add3A_453 : vector<16xi32>
      %swap3A_455 = arith.constant 336 : index
      %swap3A_456 = tpu.vector_load %arg6[%swap3A_455] {strides = array<i32>} : memref<384xi32, #tpu.memory_space<vmem>>, vector<16xi32>,
      tpu.vector_store %arg6[%swap3A_455], %add3A_454 {strides = array<i32>} : memref<384xi32, #tpu.memory_space<vmem>>, vector<16xi32>,
      %add3A_457 = arith.constant 160 : i32
      %add3A_458 = vector.broadcast %add3A_457 : i32 to vector<16xi32>
      %add3A_459 = arith.addi %add3A_238, %add3A_458 : vector<16xi32>
      %swap3A_460 = arith.constant 352 : index
      %swap3A_461 = tpu.vector_load %arg6[%swap3A_460] {strides = array<i32>} : memref<384xi32, #tpu.memory_space<vmem>>, vector<16xi32>,
      tpu.vector_store %arg6[%swap3A_460], %add3A_459 {strides = array<i32>} : memref<384xi32, #tpu.memory_space<vmem>>, vector<16xi32>,
      %add3A_462 = arith.constant 160 : i32
      %add3A_463 = vector.broadcast %add3A_462 : i32 to vector<16xi32>
      %add3A_464 = arith.addi %add3A_318, %add3A_463 : vector<16xi32>
      %swap3A_465 = arith.constant 368 : index
      %swap3A_466 = tpu.vector_load %arg6[%swap3A_465] {strides = array<i32>} : memref<384xi32, #tpu.memory_space<vmem>>, vector<16xi32>,
      tpu.vector_store %arg6[%swap3A_465], %add3A_464 {strides = array<i32>} : memref<384xi32, #tpu.memory_space<vmem>>, vector<16xi32>,
      %dma_start3A = arith.constant 0 : i32
      %dma_start3A_467 = arith.constant 0 : i32
      %dma_start3A_468 = tpu.memref_slice %arg2[%dma_start3A, %dma_start3A_467] : memref<6144x128xf32, #tpu.memory_space<hbm>> -> memref<6144x128xf32, #tpu.memory_space<hbm>>
      tpu.enqueue_indirect_dma source(%dma_start3A_468 : memref<6144x128xf32, #tpu.memory_space<hbm>>) target(%arg7 : memref<384x128xf32, #tpu.memory_space<vmem>>) offsets(%arg6 : memref<384xi32, #tpu.memory_space<vmem>>) semaphore(%arg9 : memref<!tpu.dma_semaphore, #tpu.memory_space<semaphore_mem>>)
      %dma_wait3A = arith.constant 0 : i32
      %dma_wait3A_469 = arith.constant 0 : i32
      %dma_wait3A_470 = tpu.memref_slice %arg2[%dma_wait3A, %dma_wait3A_469] : memref<6144x128xf32, #tpu.memory_space<hbm>> -> memref<6144x128xf32, #tpu.memory_space<hbm>>
      tpu.wait_indirect_dma semaphore(%arg9 : memref<!tpu.dma_semaphore, #tpu.memory_space<semaphore_mem>>) src(%dma_wait3A_470 : memref<6144x128xf32, #tpu.memory_space<hbm>>) dst(%arg7 : memref<384x128xf32, #tpu.memory_space<vmem>>)
      %broadcast_in_dim3A = arith.constant 0.000000e+00 : f32
      %broadcast_in_dim3A_471 = vector.broadcast %broadcast_in_dim3A : f32 to vector<16xf32>
      %broadcast_in_dim3A_472 = arith.constant 0.000000e+00 : f32
      %broadcast_in_dim3A_473 = vector.broadcast %broadcast_in_dim3A_472 : f32 to vector<16xf32>
      %broadcast_in_dim3A_474 = arith.constant 0.000000e+00 : f32
      %broadcast_in_dim3A_475 = vector.broadcast %broadcast_in_dim3A_474 : f32 to vector<16xf32>
      %add3A_476 = arith.constant 0 : i32
      %add3A_477 = vector.broadcast %add3A_476 : i32 to vector<16xi32>
      %add3A_478 = arith.addi %add3A_477, %iota3A : vector<16xi32>
      %gather3A_479 = tpu.vector_load_idx %arg7[%add3A_478, %add3A_67] : memref<384x128xf32, #tpu.memory_space<vmem>>[vector<16xi32>, vector<16xi32>], vector<16xf32>,
      %add3A_480 = arith.constant 64 : i32
      %add3A_481 = vector.broadcast %add3A_480 : i32 to vector<16xi32>
      %add3A_482 = arith.addi %add3A_478, %add3A_481 : vector<16xi32>
      %gather3A_483 = tpu.vector_load_idx %arg7[%add3A_482, %add3A_67] : memref<384x128xf32, #tpu.memory_space<vmem>>[vector<16xi32>, vector<16xi32>], vector<16xf32>,
      %add3A_484 = arith.constant 128 : i32
      %add3A_485 = vector.broadcast %add3A_484 : i32 to vector<16xi32>
      %add3A_486 = arith.addi %add3A_478, %add3A_485 : vector<16xi32>
      %gather3A_487 = tpu.vector_load_idx %arg7[%add3A_486, %add3A_67] : memref<384x128xf32, #tpu.memory_space<vmem>>[vector<16xi32>, vector<16xi32>], vector<16xf32>,
      %add3A_488 = arith.constant 192 : i32
      %add3A_489 = vector.broadcast %add3A_488 : i32 to vector<16xi32>
      %add3A_490 = arith.addi %add3A_478, %add3A_489 : vector<16xi32>
      %gather3A_491 = tpu.vector_load_idx %arg7[%add3A_490, %add3A_67] : memref<384x128xf32, #tpu.memory_space<vmem>>[vector<16xi32>, vector<16xi32>], vector<16xf32>,
      %add3A_492 = arith.constant 256 : i32
      %add3A_493 = vector.broadcast %add3A_492 : i32 to vector<16xi32>
      %add3A_494 = arith.addi %add3A_478, %add3A_493 : vector<16xi32>
      %gather3A_495 = tpu.vector_load_idx %arg7[%add3A_494, %add3A_67] : memref<384x128xf32, #tpu.memory_space<vmem>>[vector<16xi32>, vector<16xi32>], vector<16xf32>,
      %add3A_496 = arith.constant 320 : i32
      %add3A_497 = vector.broadcast %add3A_496 : i32 to vector<16xi32>
      %add3A_498 = arith.addi %add3A_478, %add3A_497 : vector<16xi32>
      %gather3A_499 = tpu.vector_load_idx %arg7[%add3A_498, %add3A_67] : memref<384x128xf32, #tpu.memory_space<vmem>>[vector<16xi32>, vector<16xi32>], vector<16xf32>,
      %sub3A_500 = arith.subf %gather3A_479, %gather3A_483 : vector<16xf32>
      %mul3A_501 = arith.mulf %mul3A_332, %sub3A_500 : vector<16xf32>
      %add3A_502 = arith.addf %broadcast_in_dim3A_471, %mul3A_501 : vector<16xf32>
      %sub3A_503 = arith.subf %gather3A_487, %sub3A : vector<16xf32>
      %abs3A = math.absf %sub3A_503 : vector<16xf32>
      %sub3A_504 = arith.subf %gather3A_491, %sub3A_48 : vector<16xf32>
      %abs3A_505 = math.absf %sub3A_504 : vector<16xf32>
      %add3A_506 = arith.addf %abs3A, %abs3A_505 : vector<16xf32>
      %sub3A_507 = arith.subf %gather3A_495, %mul3A_52 : vector<16xf32>
      %abs3A_508 = math.absf %sub3A_507 : vector<16xf32>
      %add3A_509 = arith.addf %add3A_506, %abs3A_508 : vector<16xf32>
      %sub3A_510 = arith.subf %gather3A_499, %mul3A_56 : vector<16xf32>
      %abs3A_511 = math.absf %sub3A_510 : vector<16xf32>
      %add3A_512 = arith.addf %add3A_509, %abs3A_511 : vector<16xf32>
      %mul3A_513 = arith.mulf %mul3A_332, %add3A_512 : vector<16xf32>
      %add3A_514 = arith.addf %broadcast_in_dim3A_473, %mul3A_513 : vector<16xf32>
      %add3A_515 = arith.addf %broadcast_in_dim3A_475, %mul3A_332 : vector<16xf32>
      %add3A_516 = arith.constant 16 : i32
      %add3A_517 = vector.broadcast %add3A_516 : i32 to vector<16xi32>
      %add3A_518 = arith.addi %add3A_517, %iota3A : vector<16xi32>
      %gather3A_519 = tpu.vector_load_idx %arg7[%add3A_518, %add3A_146] : memref<384x128xf32, #tpu.memory_space<vmem>>[vector<16xi32>, vector<16xi32>], vector<16xf32>,
      %add3A_520 = arith.constant 64 : i32
      %add3A_521 = vector.broadcast %add3A_520 : i32 to vector<16xi32>
      %add3A_522 = arith.addi %add3A_518, %add3A_521 : vector<16xi32>
      %gather3A_523 = tpu.vector_load_idx %arg7[%add3A_522, %add3A_146] : memref<384x128xf32, #tpu.memory_space<vmem>>[vector<16xi32>, vector<16xi32>], vector<16xf32>,
      %add3A_524 = arith.constant 128 : i32
      %add3A_525 = vector.broadcast %add3A_524 : i32 to vector<16xi32>
      %add3A_526 = arith.addi %add3A_518, %add3A_525 : vector<16xi32>
      %gather3A_527 = tpu.vector_load_idx %arg7[%add3A_526, %add3A_146] : memref<384x128xf32, #tpu.memory_space<vmem>>[vector<16xi32>, vector<16xi32>], vector<16xf32>,
      %add3A_528 = arith.constant 192 : i32
      %add3A_529 = vector.broadcast %add3A_528 : i32 to vector<16xi32>
      %add3A_530 = arith.addi %add3A_518, %add3A_529 : vector<16xi32>
      %gather3A_531 = tpu.vector_load_idx %arg7[%add3A_530, %add3A_146] : memref<384x128xf32, #tpu.memory_space<vmem>>[vector<16xi32>, vector<16xi32>], vector<16xf32>,
      %add3A_532 = arith.constant 256 : i32
      %add3A_533 = vector.broadcast %add3A_532 : i32 to vector<16xi32>
      %add3A_534 = arith.addi %add3A_518, %add3A_533 : vector<16xi32>
      %gather3A_535 = tpu.vector_load_idx %arg7[%add3A_534, %add3A_146] : memref<384x128xf32, #tpu.memory_space<vmem>>[vector<16xi32>, vector<16xi32>], vector<16xf32>,
      %add3A_536 = arith.constant 320 : i32
      %add3A_537 = vector.broadcast %add3A_536 : i32 to vector<16xi32>
      %add3A_538 = arith.addi %add3A_518, %add3A_537 : vector<16xi32>
      %gather3A_539 = tpu.vector_load_idx %arg7[%add3A_538, %add3A_146] : memref<384x128xf32, #tpu.memory_space<vmem>>[vector<16xi32>, vector<16xi32>], vector<16xf32>,
      %sub3A_540 = arith.subf %gather3A_519, %gather3A_523 : vector<16xf32>
      %mul3A_541 = arith.mulf %mul3A_347, %sub3A_540 : vector<16xf32>
      %add3A_542 = arith.addf %add3A_502, %mul3A_541 : vector<16xf32>
      %sub3A_543 = arith.subf %gather3A_527, %sub3A_125 : vector<16xf32>
      %abs3A_544 = math.absf %sub3A_543 : vector<16xf32>
      %sub3A_545 = arith.subf %gather3A_531, %sub3A_127 : vector<16xf32>
      %abs3A_546 = math.absf %sub3A_545 : vector<16xf32>
      %add3A_547 = arith.addf %abs3A_544, %abs3A_546 : vector<16xf32>
      %sub3A_548 = arith.subf %gather3A_535, %mul3A_131 : vector<16xf32>
      %abs3A_549 = math.absf %sub3A_548 : vector<16xf32>
      %add3A_550 = arith.addf %add3A_547, %abs3A_549 : vector<16xf32>
      %sub3A_551 = arith.subf %gather3A_539, %mul3A_135 : vector<16xf32>
      %abs3A_552 = math.absf %sub3A_551 : vector<16xf32>
      %add3A_553 = arith.addf %add3A_550, %abs3A_552 : vector<16xf32>
      %mul3A_554 = arith.mulf %mul3A_347, %add3A_553 : vector<16xf32>
      %add3A_555 = arith.addf %add3A_514, %mul3A_554 : vector<16xf32>
      %add3A_556 = arith.addf %add3A_515, %mul3A_347 : vector<16xf32>
      %add3A_557 = arith.constant 32 : i32
      %add3A_558 = vector.broadcast %add3A_557 : i32 to vector<16xi32>
      %add3A_559 = arith.addi %add3A_558, %iota3A : vector<16xi32>
      %gather3A_560 = tpu.vector_load_idx %arg7[%add3A_559, %add3A_226] : memref<384x128xf32, #tpu.memory_space<vmem>>[vector<16xi32>, vector<16xi32>], vector<16xf32>,
      %add3A_561 = arith.constant 64 : i32
      %add3A_562 = vector.broadcast %add3A_561 : i32 to vector<16xi32>
      %add3A_563 = arith.addi %add3A_559, %add3A_562 : vector<16xi32>
      %gather3A_564 = tpu.vector_load_idx %arg7[%add3A_563, %add3A_226] : memref<384x128xf32, #tpu.memory_space<vmem>>[vector<16xi32>, vector<16xi32>], vector<16xf32>,
      %add3A_565 = arith.constant 128 : i32
      %add3A_566 = vector.broadcast %add3A_565 : i32 to vector<16xi32>
      %add3A_567 = arith.addi %add3A_559, %add3A_566 : vector<16xi32>
      %gather3A_568 = tpu.vector_load_idx %arg7[%add3A_567, %add3A_226] : memref<384x128xf32, #tpu.memory_space<vmem>>[vector<16xi32>, vector<16xi32>], vector<16xf32>,
      %add3A_569 = arith.constant 192 : i32
      %add3A_570 = vector.broadcast %add3A_569 : i32 to vector<16xi32>
      %add3A_571 = arith.addi %add3A_559, %add3A_570 : vector<16xi32>
      %gather3A_572 = tpu.vector_load_idx %arg7[%add3A_571, %add3A_226] : memref<384x128xf32, #tpu.memory_space<vmem>>[vector<16xi32>, vector<16xi32>], vector<16xf32>,
      %add3A_573 = arith.constant 256 : i32
      %add3A_574 = vector.broadcast %add3A_573 : i32 to vector<16xi32>
      %add3A_575 = arith.addi %add3A_559, %add3A_574 : vector<16xi32>
      %gather3A_576 = tpu.vector_load_idx %arg7[%add3A_575, %add3A_226] : memref<384x128xf32, #tpu.memory_space<vmem>>[vector<16xi32>, vector<16xi32>], vector<16xf32>,
      %add3A_577 = arith.constant 320 : i32
      %add3A_578 = vector.broadcast %add3A_577 : i32 to vector<16xi32>
      %add3A_579 = arith.addi %add3A_559, %add3A_578 : vector<16xi32>
      %gather3A_580 = tpu.vector_load_idx %arg7[%add3A_579, %add3A_226] : memref<384x128xf32, #tpu.memory_space<vmem>>[vector<16xi32>, vector<16xi32>], vector<16xf32>,
      %sub3A_581 = arith.subf %gather3A_560, %gather3A_564 : vector<16xf32>
      %mul3A_582 = arith.mulf %get3A_228, %sub3A_581 : vector<16xf32>
      %add3A_583 = arith.addf %add3A_542, %mul3A_582 : vector<16xf32>
      %sub3A_584 = arith.subf %gather3A_568, %sub3A_205 : vector<16xf32>
      %abs3A_585 = math.absf %sub3A_584 : vector<16xf32>
      %sub3A_586 = arith.subf %gather3A_572, %sub3A_207 : vector<16xf32>
      %abs3A_587 = math.absf %sub3A_586 : vector<16xf32>
      %add3A_588 = arith.addf %abs3A_585, %abs3A_587 : vector<16xf32>
      %sub3A_589 = arith.subf %gather3A_576, %mul3A_211 : vector<16xf32>
      %abs3A_590 = math.absf %sub3A_589 : vector<16xf32>
      %add3A_591 = arith.addf %add3A_588, %abs3A_590 : vector<16xf32>
      %sub3A_592 = arith.subf %gather3A_580, %mul3A_215 : vector<16xf32>
      %abs3A_593 = math.absf %sub3A_592 : vector<16xf32>
      %add3A_594 = arith.addf %add3A_591, %abs3A_593 : vector<16xf32>
      %mul3A_595 = arith.mulf %get3A_228, %add3A_594 : vector<16xf32>
      %add3A_596 = arith.addf %add3A_555, %mul3A_595 : vector<16xf32>
      %add3A_597 = arith.addf %add3A_556, %get3A_228 : vector<16xf32>
      %add3A_598 = arith.constant 48 : i32
      %add3A_599 = vector.broadcast %add3A_598 : i32 to vector<16xi32>
      %add3A_600 = arith.addi %add3A_599, %iota3A : vector<16xi32>
      %gather3A_601 = tpu.vector_load_idx %arg7[%add3A_600, %add3A_306] : memref<384x128xf32, #tpu.memory_space<vmem>>[vector<16xi32>, vector<16xi32>], vector<16xf32>,
      %add3A_602 = arith.constant 64 : i32
      %add3A_603 = vector.broadcast %add3A_602 : i32 to vector<16xi32>
      %add3A_604 = arith.addi %add3A_600, %add3A_603 : vector<16xi32>
      %gather3A_605 = tpu.vector_load_idx %arg7[%add3A_604, %add3A_306] : memref<384x128xf32, #tpu.memory_space<vmem>>[vector<16xi32>, vector<16xi32>], vector<16xf32>,
      %add3A_606 = arith.constant 128 : i32
      %add3A_607 = vector.broadcast %add3A_606 : i32 to vector<16xi32>
      %add3A_608 = arith.addi %add3A_600, %add3A_607 : vector<16xi32>
      %gather3A_609 = tpu.vector_load_idx %arg7[%add3A_608, %add3A_306] : memref<384x128xf32, #tpu.memory_space<vmem>>[vector<16xi32>, vector<16xi32>], vector<16xf32>,
      %add3A_610 = arith.constant 192 : i32
      %add3A_611 = vector.broadcast %add3A_610 : i32 to vector<16xi32>
      %add3A_612 = arith.addi %add3A_600, %add3A_611 : vector<16xi32>
      %gather3A_613 = tpu.vector_load_idx %arg7[%add3A_612, %add3A_306] : memref<384x128xf32, #tpu.memory_space<vmem>>[vector<16xi32>, vector<16xi32>], vector<16xf32>,
      %add3A_614 = arith.constant 256 : i32
      %add3A_615 = vector.broadcast %add3A_614 : i32 to vector<16xi32>
      %add3A_616 = arith.addi %add3A_600, %add3A_615 : vector<16xi32>
      %gather3A_617 = tpu.vector_load_idx %arg7[%add3A_616, %add3A_306] : memref<384x128xf32, #tpu.memory_space<vmem>>[vector<16xi32>, vector<16xi32>], vector<16xf32>,
      %add3A_618 = arith.constant 320 : i32
      %add3A_619 = vector.broadcast %add3A_618 : i32 to vector<16xi32>
      %add3A_620 = arith.addi %add3A_600, %add3A_619 : vector<16xi32>
      %gather3A_621 = tpu.vector_load_idx %arg7[%add3A_620, %add3A_306] : memref<384x128xf32, #tpu.memory_space<vmem>>[vector<16xi32>, vector<16xi32>], vector<16xf32>,
      %sub3A_622 = arith.subf %gather3A_601, %gather3A_605 : vector<16xf32>
      %mul3A_623 = arith.mulf %get3A_308, %sub3A_622 : vector<16xf32>
      %add3A_624 = arith.addf %add3A_583, %mul3A_623 : vector<16xf32>
      %sub3A_625 = arith.subf %gather3A_609, %sub3A_285 : vector<16xf32>
      %abs3A_626 = math.absf %sub3A_625 : vector<16xf32>
      %sub3A_627 = arith.subf %gather3A_613, %sub3A_287 : vector<16xf32>
      %abs3A_628 = math.absf %sub3A_627 : vector<16xf32>
      %add3A_629 = arith.addf %abs3A_626, %abs3A_628 : vector<16xf32>
      %sub3A_630 = arith.subf %gather3A_617, %mul3A_291 : vector<16xf32>
      %abs3A_631 = math.absf %sub3A_630 : vector<16xf32>
      %add3A_632 = arith.addf %add3A_629, %abs3A_631 : vector<16xf32>
      %sub3A_633 = arith.subf %gather3A_621, %mul3A_295 : vector<16xf32>
      %abs3A_634 = math.absf %sub3A_633 : vector<16xf32>
      %add3A_635 = arith.addf %add3A_632, %abs3A_634 : vector<16xf32>
      %mul3A_636 = arith.mulf %get3A_308, %add3A_635 : vector<16xf32>
      %add3A_637 = arith.addf %add3A_596, %mul3A_636 : vector<16xf32>
      %add3A_638 = arith.addf %add3A_597, %get3A_308 : vector<16xf32>
      %mul3A_639 = arith.constant 9.900000e-01 : f32
      %mul3A_640 = vector.broadcast %mul3A_639 : f32 to vector<16xf32>
      %mul3A_641 = arith.mulf %add3A_624, %mul3A_640 : vector<16xf32>
      %swap3A_642 = arith.constant 0 : i32
      %swap3A_643 = arith.index_cast %swap3A_642 : i32 to index
      %swap3A_644 = arith.constant 0 : index
      %swap3A_645 = tpu.vector_load %arg8[%swap3A_643, %swap3A_644] {strides = array<i32>} : memref<4x16xf32, #tpu.memory_space<vmem>>, vector<16xf32>,
      tpu.vector_store %arg8[%swap3A_643, %swap3A_644], %mul3A_641 {strides = array<i32>} : memref<4x16xf32, #tpu.memory_space<vmem>>, vector<16xf32>,
      %swap3A_646 = arith.constant 1 : i32
      %swap3A_647 = arith.index_cast %swap3A_646 : i32 to index
      %swap3A_648 = arith.constant 0 : index
      %swap3A_649 = tpu.vector_load %arg8[%swap3A_647, %swap3A_648] {strides = array<i32>} : memref<4x16xf32, #tpu.memory_space<vmem>>, vector<16xf32>,
      tpu.vector_store %arg8[%swap3A_647, %swap3A_648], %add3A_637 {strides = array<i32>} : memref<4x16xf32, #tpu.memory_space<vmem>>, vector<16xf32>,
      %swap3A_650 = arith.constant 2 : i32
      %swap3A_651 = arith.index_cast %swap3A_650 : i32 to index
      %swap3A_652 = arith.constant 0 : index
      %swap3A_653 = tpu.vector_load %arg8[%swap3A_651, %swap3A_652] {strides = array<i32>} : memref<4x16xf32, #tpu.memory_space<vmem>>, vector<16xf32>,
      tpu.vector_store %arg8[%swap3A_651, %swap3A_652], %add3A_638 {strides = array<i32>} : memref<4x16xf32, #tpu.memory_space<vmem>>, vector<16xf32>,
      %broadcast_in_dim3A_654 = arith.constant 0.000000e+00 : f32
      %broadcast_in_dim3A_655 = vector.broadcast %broadcast_in_dim3A_654 : f32 to vector<16xf32>
      %swap3A_656 = arith.constant 3 : i32
      %swap3A_657 = arith.index_cast %swap3A_656 : i32 to index
      %swap3A_658 = arith.constant 0 : index
      %swap3A_659 = tpu.vector_load %arg8[%swap3A_657, %swap3A_658] {strides = array<i32>} : memref<4x16xf32, #tpu.memory_space<vmem>>, vector<16xf32>,
      tpu.vector_store %arg8[%swap3A_657, %swap3A_658], %broadcast_in_dim3A_655 {strides = array<i32>} : memref<4x16xf32, #tpu.memory_space<vmem>>, vector<16xf32>,
      "tpu.region"() ({
        %run_scoped3A = tpu.sem_alloc : memref<!tpu.dma_semaphore, #tpu.memory_space<semaphore_mem>>
        tpu.enqueue_dma source(%arg8 : memref<4x16xf32, #tpu.memory_space<vmem>>) target(%arg4 : memref<4x16xf32, #tpu.memory_space<hbm>>) target_semaphore(%run_scoped3A : memref<!tpu.dma_semaphore, #tpu.memory_space<semaphore_mem>>)
        tpu.wait_dma2 semaphore(%run_scoped3A : memref<!tpu.dma_semaphore, #tpu.memory_space<semaphore_mem>>) src(%arg8 : memref<4x16xf32, #tpu.memory_space<vmem>>) dst(%arg4 : memref<4x16xf32, #tpu.memory_space<hbm>>)
        tpu.yield
      }) : () -> ()
    } else {
    }
    return
  }
}

module attributes {stable_mosaic.version = 14 : i64} {
  func.func @_dense_body(%arg0: i32, %arg1: memref<8x2x64x64xf32, #tpu.memory_space<vmem>>, %arg2: memref<1xf32, #tpu.memory_space<smem>>, %arg3: memref<1xf32, #tpu.memory_space<smem>>) attributes {dimension_semantics = [#tpu.dimension_semantics<arbitrary>], iteration_bounds = array<i64: 4>, scalar_prefetch = 0 : i64, scratch_operands = 1 : i64, tpu.core_type = #tpu.core_type<tc>, window_params = [{transform_indices = @transform_0, window_bounds = array<i64: 8, 2, 64, 64>}, {transform_indices = @transform_1, window_bounds = array<i64: 1>}]} {
    %get3A = arith.constant 0 : index
    %get3A_0 = arith.constant 0 : index
    %get3A_1 = arith.constant 0 : index
    %get3A_2 = arith.constant 0 : index
    %get3A_3 = vector.load %arg1[%get3A, %get3A_0, %get3A_1, %get3A_2] : memref<8x2x64x64xf32, #tpu.memory_space<vmem>>, vector<8x1x64x64xf32>
    %get3A_4 = vector.shape_cast %get3A_3 : vector<8x1x64x64xf32> to vector<8x64x64xf32>
    %reshape3A = vector.shape_cast %get3A_4 : vector<8x64x64xf32> to vector<512x64xf32>
    %get3A_5 = arith.constant 0 : index
    %get3A_6 = arith.constant 1 : index
    %get3A_7 = arith.constant 0 : index
    %get3A_8 = arith.constant 0 : index
    %get3A_9 = vector.load %arg1[%get3A_5, %get3A_6, %get3A_7, %get3A_8] : memref<8x2x64x64xf32, #tpu.memory_space<vmem>>, vector<8x1x64x64xf32>
    %get3A_10 = vector.shape_cast %get3A_9 : vector<8x1x64x64xf32> to vector<8x64x64xf32>
    %reshape3A_11 = vector.shape_cast %get3A_10 : vector<8x64x64xf32> to vector<512x64xf32>
    %max3A = arith.maximumf %reshape3A, %reshape3A_11 : vector<512x64xf32>
    %sub3A = arith.subf %reshape3A, %reshape3A_11 : vector<512x64xf32>
    %abs3A = math.absf %sub3A : vector<512x64xf32>
    %neg3A = arith.constant 0.000000e+00 : f32
    %neg3A_12 = vector.broadcast %neg3A : f32 to vector<512x64xf32>
    %neg3A_13 = arith.subf %neg3A_12, %abs3A : vector<512x64xf32>
    %exp3A = math.exp %neg3A_13 : vector<512x64xf32>
    %add3A = arith.constant 1.000000e+00 : f32
    %add3A_14 = vector.broadcast %add3A : f32 to vector<512x64xf32>
    %add3A_15 = arith.addf %add3A_14, %exp3A : vector<512x64xf32>
    %log3A = math.log %add3A_15 : vector<512x64xf32>
    %add3A_16 = arith.addf %max3A, %log3A : vector<512x64xf32>
    %mul3A = arith.constant 9.950000e-01 : f32
    %mul3A_17 = vector.broadcast %mul3A : f32 to vector<512x64xf32>
    %mul3A_18 = arith.mulf %mul3A_17, %reshape3A : vector<512x64xf32>
    %sub3A_19 = arith.subf %add3A_16, %mul3A_18 : vector<512x64xf32>
    %mul3A_20 = arith.constant 5.000000e-03 : f32
    %mul3A_21 = vector.broadcast %mul3A_20 : f32 to vector<512x64xf32>
    %mul3A_22 = arith.mulf %mul3A_21, %reshape3A_11 : vector<512x64xf32>
    %sub3A_23 = arith.subf %sub3A_19, %mul3A_22 : vector<512x64xf32>
    %reduce_sum3A = vector.shape_cast %sub3A_23 : vector<512x64xf32> to vector<1x512x64xf32>
    %reduce_sum3A_24 = arith.constant dense<0.000000e+00> : vector<1xf32>
    %reduce_sum3A_25 = vector.multi_reduction <add>, %reduce_sum3A, %reduce_sum3A_24 [1, 2] : vector<1x512x64xf32> to vector<1xf32>
    %reduce_sum3A_26 = vector.shape_cast %reduce_sum3A_25 : vector<1xf32> to vector<1x1x1xf32>
    %reduce_sum3A_27 = vector.extract %reduce_sum3A_26[0, 0, 0] : f32 from vector<1x1x1xf32>
    %eq3A = arith.constant 0 : i32
    %eq3A_28 = arith.cmpi eq, %arg0, %eq3A : i32
    %convert_element_type3A = arith.extui %eq3A_28 : i1 to i32
    %cond3A = arith.constant 0 : i32
    %cond3A_29 = arith.cmpi ne, %convert_element_type3A, %cond3A : i32
    scf.if %cond3A_29 {
      %swap3A = arith.constant 0 : index
      %swap3A_39 = memref.load %arg3[%swap3A] : memref<1xf32, #tpu.memory_space<smem>>
      memref.store %reduce_sum3A_27, %arg3[%swap3A] : memref<1xf32, #tpu.memory_space<smem>>
    } else {
    }
    %gt3A = arith.constant 0 : i32
    %gt3A_30 = arith.cmpi sgt, %arg0, %gt3A : i32
    %convert_element_type3A_31 = arith.extui %gt3A_30 : i1 to i32
    %cond3A_32 = arith.constant 0 : i32
    %cond3A_33 = arith.cmpi ne, %convert_element_type3A_31, %cond3A_32 : i32
    scf.if %cond3A_33 {
      %get3A_39 = arith.constant 0 : index
      %get3A_40 = memref.load %arg3[%get3A_39] : memref<1xf32, #tpu.memory_space<smem>>
      %add3A_41 = arith.addf %get3A_40, %reduce_sum3A_27 : f32
      %swap3A = arith.constant 0 : index
      %swap3A_42 = memref.load %arg3[%swap3A] : memref<1xf32, #tpu.memory_space<smem>>
      memref.store %add3A_41, %arg3[%swap3A] : memref<1xf32, #tpu.memory_space<smem>>
    } else {
    }
    %eq3A_34 = arith.constant 3 : i32
    %eq3A_35 = arith.cmpi eq, %arg0, %eq3A_34 : i32
    %convert_element_type3A_36 = arith.extui %eq3A_35 : i1 to i32
    %cond3A_37 = arith.constant 0 : i32
    %cond3A_38 = arith.cmpi ne, %convert_element_type3A_36, %cond3A_37 : i32
    scf.if %cond3A_38 {
      %get3A_39 = arith.constant 0 : index
      %get3A_40 = memref.load %arg3[%get3A_39] : memref<1xf32, #tpu.memory_space<smem>>
      %swap3A = arith.constant 0 : index
      %swap3A_41 = memref.load %arg2[%swap3A] : memref<1xf32, #tpu.memory_space<smem>>
      memref.store %get3A_40, %arg2[%swap3A] : memref<1xf32, #tpu.memory_space<smem>>
    } else {
    }
    return
  }
  func.func @transform_0(%arg0: i32) -> (i32, i32, i32, i32) {
    %c0_i32 = arith.constant 0 : i32
    %c0_i32_0 = arith.constant 0 : i32
    %c0_i32_1 = arith.constant 0 : i32
    %c0_i32_2 = arith.constant 0 : i32
    return %arg0, %c0_i32, %c0_i32_0, %c0_i32_1 : i32, i32, i32, i32
  }
  func.func @transform_1(%arg0: i32) -> i32 {
    %c0_i32 = arith.constant 0 : i32
    %c0_i32_0 = arith.constant 0 : i32
    return %c0_i32 : i32
  }
}

</mosaic_0001>

<sc_bundles>
// kernel: kernel.4.cloned.1.call-start
scs
__scs_entry_jumppad:
0x0: {  	(pc) =	sbr.rel $0x88, $3  }
0x1: {  	(tag) =	ssettag $0x0;
	lr =	simm.s32 $0x1  }
0x2: {  	[smem:$0x3F9B] =	sst lr;
	_ =	strace $0xD0000000  }
0x3: {  	_ = 	snop  }
0x4: {  	_ = 	snop  }
0x5: {  	_ = 	snop  }
0x6: {  	_ = 	snop  }
0x7: {  	_ = 	snop  }
__scs_overlays_trampoline_lowered:
0x8: {  	[smem:$0x3FAA] =	sst s0  }
0x9: {  	[smem:$0x3FAB] =	sst s1  }
0xa: {  	[smem:$0x3FAC] =	sst s2  }
0xb: {  	[smem:$0x3FAD] =	sst s3  }
0xc: {  	[smem:$0x3FAE] =	sst s4  }
0xd: {  	[smem:$0x3FAF] =	sst s5  }
0xe: {  	[smem:$0x3FB0] =	sst s6  }
0xf: {  	[smem:$0x3FB1] =	sst s7  }
0x10: {  	[smem:$0x3FB2] =	sst s8  }
0x11: {  	[smem:$0x3FB3] =	sst s9;
	s0 =	simm.s32 @!p0 $0x0  }
0x12: {  	s1 =	sld [smem:$0x3F99];
	s0 =	simm.s32 @p0 $0x1  }
0x13: {  	[smem:$0x3FB4] =	sst s0;
	s0 =	simm.s32 @!p1 $0x0  }
0x14: {  	s2 =	sld [smem:$0x3F98];
	s0 =	simm.s32 @p1 $0x1  }
0x15: {  	[smem:$0x3FB5] =	sst s0;
	s0 =	simm.s32 @!p2 $0x0  }
0x16: {  	s3 =	sld [smem:$0x3FDB];
	s0 =	simm.s32 @p2 $0x1  }
0x17: {  	s4 =	simm.s32 $0x1BF5;
	[smem:$0x3FB7] =	sst s0  }
0x18: {  	s0 =	sld [smem:$0x3F9A];
	_ =	swait.ge [sflag:s4], $0x0  }
0x19: {  	s7 =	sld [smem:$0x3F9B]  }
0x1a: {  	s8 =	sadd.s32 $0xFFFFE003, lr  }
0x1b: {  	s9 =	sadd.s32 $0xFFFFFEF7, lr;
	s5 =	simm.s32 $0xFFFFFFFF;
	p2 =	slt.u32 s8, $0xFFFFF086  }
0x1c: {  	p1 =	slt.u32 s9, $0xF7A;
	s5 =	simm.s32 @!p2 $0x0  }
0x1d: {  	s5 =	simm.s32 @p1 $0x1;
	p0 =	seq.s32 s7, s2  }
0x1e: {  	s7 =	smul.u32 @!p0 $0xF7A, s2;
	p2 =	seq.s32 @!p0 s5, $0x0  }
0x1f: {  	s9 =	smul.u32 $0xF7A, s1;
	s8 =	simm.s32 @!p0 $0x1BF5;
	p2 =	por !p2, p0  }
0x20: {  	[sflag:s8] =	ssyncset.s32 @!p0 $0xFFFFF086;
	s6 =	sadd.s32 @!p0 s3, s7;
	s7 =	simm.s32 @!p0 $0x108  }
0x21: {  	s3 =	sadd.s32 s3, s9;
	s6 =	sadd.s32 @!p0 $0x88, s6;
	s7 =	simm.s32 @p2 $0x1082  }
0x22: {  	[simem:s7], [sflag:s8] =	dma.local @!p0 [hbm:s6], $0xF7A  }
0x23: {  	s9 =	sor.u32 $0xD0000000, s2;
	s6 =	simm.s32 $0x108;
	_ =	swait.ge @!p0 [sflag:s8], $0x0  }
0x24: {  	s3 =	sadd.s32 $0x88, s3;
	s6 =	simm.s32 @!p1 $0x1082;
	[sflag:s4] =	ssyncset.s32 $0xFFFFF086  }
0x25: {  	[simem:s6], [sflag:s4] =	dma.local [hbm:s3], $0xF7A  }
0x26: {  	[smem:$0x3F9B] =	sst s1;
	(tag) =	ssettag s2;
	_ =	strace s9  }
0x27: {  	s1 =	sld [smem:$0x3FAB]  }
0x28: {  	s2 =	sld [smem:$0x3FAC]  }
0x29: {  	s4 =	sld [smem:$0x3FAE]  }
0x2a: {  	p0 =	seq.s32 s5, $0x0;
	s5 =	sld [smem:$0x3FAF]  }
0x2b: {  	s6 =	sld [smem:$0x3FB0]  }
0x2c: {  	s7 =	sld [smem:$0x3FB1]  }
0x2d: {  	s3 =	simm.s32 $0x108;
	s8 =	sld [smem:$0x3FB2]  }
0x2e: {  	s3 =	simm.s32 @!p0 $0x1082;
	s9 =	sld [smem:$0x3FB3]  }
0x2f: {  	lr =	sadd.s32 s0, s3;
	s0 =	sld [smem:$0x3FAA]  }
0x30: {  	s3 =	sld [smem:$0x3FAD]  }
0x31: {  	[smem:$0x3FB6] =	sst s10  }
0x32: {  	s10 =	sld [smem:$0x3FB4];
	_ =	sdelay $0x3  }
0x33: {  	p0 =	seq.s32 s10, $0x1;
	s10 =	sld [smem:$0x3FB6];
	_ =	sdelay $0x3  }
0x34: {  	[smem:$0x3FB6] =	sst s10  }
0x35: {  	s10 =	sld [smem:$0x3FB5];
	_ =	sdelay $0x3  }
0x36: {  	p1 =	seq.s32 s10, $0x1;
	s10 =	sld [smem:$0x3FB6];
	_ =	sdelay $0x3  }
0x37: {  	[smem:$0x3FB6] =	sst s10  }
0x38: {  	s10 =	sld [smem:$0x3FB7]  }
0x39: {  	_ = 	snop;
	(pc) =	sbr.ind lr, $3  }
0x3a: {  	_ = 	snop  }
0x3b: {  	_ = 	snop  }
0x3c: {  	p2 =	seq.s32 s10, $0x1;
	s10 =	sld [smem:$0x3FB6]  }
0x3d: {  	_ =	shalt  }
0x3e: {  	_ =	shalt  }
0x3f: {  	_ =	shalt  }
0x40: {  	_ =	shalt  }
0x41: {  	_ =	shalt  }
0x42: {  	_ =	shalt  }
0x43: {  	_ =	shalt  }
0x44: {  	_ =	shalt  }
0x45: {  	_ =	shalt  }
0x46: {  	_ =	shalt  }
0x47: {  	_ =	shalt  }
0x48: {  	_ =	shalt  }
0x49: {  	_ =	shalt  }
0x4a: {  	_ =	shalt  }
0x4b: {  	_ =	shalt  }
0x4c: {  	_ =	shalt  }
0x4d: {  	_ =	shalt  }
0x4e: {  	_ =	shalt  }
0x4f: {  	_ =	shalt  }
0x50: {  	_ =	shalt  }
0x51: {  	_ =	shalt  }
0x52: {  	_ =	shalt  }
0x53: {  	_ =	shalt  }
0x54: {  	_ =	shalt  }
0x55: {  	_ =	shalt  }
0x56: {  	_ =	shalt  }
0x57: {  	_ =	shalt  }
0x58: {  	_ =	shalt  }
0x59: {  	_ =	shalt  }
0x5a: {  	_ =	shalt  }
0x5b: {  	_ =	shalt  }
0x5c: {  	_ =	shalt  }
0x5d: {  	_ =	shalt  }
0x5e: {  	_ =	shalt  }
0x5f: {  	_ =	shalt  }
0x60: {  	_ =	shalt  }
0x61: {  	_ =	shalt  }
0x62: {  	_ =	shalt  }
0x63: {  	_ =	shalt  }
0x64: {  	_ =	shalt  }
0x65: {  	_ =	shalt  }
0x66: {  	_ =	shalt  }
0x67: {  	_ =	shalt  }
0x68: {  	_ =	shalt  }
0x69: {  	_ =	shalt  }
0x6a: {  	_ =	shalt  }
0x6b: {  	_ =	shalt  }
0x6c: {  	_ =	shalt  }
0x6d: {  	_ =	shalt  }
0x6e: {  	_ =	shalt  }
0x6f: {  	_ =	shalt  }
0x70: {  	_ =	shalt  }
0x71: {  	_ =	shalt  }
0x72: {  	_ =	shalt  }
0x73: {  	_ =	shalt  }
0x74: {  	_ =	shalt  }
0x75: {  	_ =	shalt  }
0x76: {  	_ =	shalt  }
0x77: {  	_ =	shalt  }
0x78: {  	_ =	shalt  }
0x79: {  	_ =	shalt  }
0x7a: {  	_ =	shalt  }
0x7b: {  	_ =	shalt  }
0x7c: {  	_ =	shalt  }
0x7d: {  	_ =	shalt  }
0x7e: {  	_ =	shalt  }
0x7f: {  	_ =	shalt  }
0x80: {  	_ =	shalt  }
0x81: {  	_ =	shalt  }
0x82: {  	_ =	shalt  }
0x83: {  	_ =	shalt  }
0x84: {  	_ =	shalt  }
0x85: {  	_ =	shalt  }
0x86: {  	_ =	shalt  }
0x87: {  	_ =	shalt  }
.Lfunc_end0:
.L_simem_size_0:
called_computation_lowered:
.L_overlay_start_0:
0x88: {  	s0 =	sld [smem:$0x3FD9]  }
0x89: {  	s1 =	sld [smem:$0x3FFE];
	_ =	sdelay $0x3  }
0x8a: {  	s0 =	sadd.s32 s1, s0  }
0x8b: {  	[smem:$0x3FC2] =	sst s0  }
0x8c: {  	_ = 	snop  }
0x8d: {  	(tm) =	ssettm $0x1  }
0x8e: {  	s15 =	sld [smem:$0x3FFB];
	_ =	sdelay $0x3  }
0x8f: {  	_ =	strace s15  }
0x90: {  	s0 =	sld [smem:$0x3FFC];
	_ =	sdelay $0x3  }
0x91: {  	_ =	strace s0  }
0x92: {  	s0 =	sld [smem:$0x3FFD];
	_ =	sdelay $0x3  }
0x93: {  	_ =	strace s0  }
0x94: {  	_ =	strace $0x8FFFFFFF  }
0x95: {  	s16 =	sld [smem:$0x3FDB];
	_ =	sdelay $0x1  }
0x96: {  	s17 =	simm.s32 $_scs_section_size  }
0x97: {  	s2 =	simm.s32 $_size__tile_overlayer_lowered;
	s3 =	simm.s32 $_tile_overlayer_lowered  }
0x98: {  	s20 =	simm.s32 $0x1BFF;
	s19 =	sshll.u32 s3, $0x1;
	s0 =	sadd.s32 s17, s16  }
0x99: {  	s4 =	simm.s32 $0x0;
	s18 =	sshll.u32 s2, $0x1;
	s2 =	sadd.s32 s19, s0  }
0x9a: {  	[timem:s4], [sflag:s20] =	dma.local [hbm:s2], s18  }
0x9b: {  	_ =	swait.ge [sflag:s20], s18  }
0x9c: {  	s1 =	ssub.s32 $0x0, s18;
	[sflag:s20] =	ssyncset.done $0x0  }
0x9d: {  	[sflag:s20] =	ssyncadd.s32 s1;
	_ =	sdelay $0x1  }
0x9e: {  	s21 =	simm.s32 $0x1B8B  }
0x9f: {  	_ =	swait.ge [sflag:s21], $0x1  }
0xa0: {  	[sflag:s21] =	ssyncset.done $0x0  }
0xa1: {  	s23 =	simm.s32 $0x1B8E;
	s22 =	sld [smem:$0x3FFE];
	[sflag:s21] =	ssyncadd.s32 $0xFFFFFFFF  }
0xa2: {  	s24 =	simm.s32 $execute0_lowered;
	[smem:$0x3FD2] =	sst s23  }
0xa3: {  	s2 =	sshll.u32 s24, $0x1;
	_ =	strace $0x80000046;
	[dreg:$0x1] =	wrdreg $0xFFFFFFFF  }
0xa4: {  	s25 =	simm.s32 $_size_execute0_lowered;
	s0 =	sadd.s32 s0, s2;
	[dreg:$0x0] =	wrdreg $0x0  }
0xa5: {  	s2 =	sshll.u32 s25, $0x1;
	[dreg:$0x2] =	wrdreg s0  }
0xa6: {  	[dreg:$0x3] =	wrdreg s2  }
0xa7: {  	[dreg:$0x4] =	wrdreg $0xC0  }
0xa8: {  	_ =	task [dreg:s4], $0x5FFFF  }
0xa9: {  	[dreg:$0x1] =	wrdreg $0xFFFFFFFF  }
0xaa: {  	[dreg:$0x0] =	wrdreg $0x60  }
0xab: {  	[dreg:$0x2] =	wrdreg s22  }
0xac: {  	[dreg:$0x3] =	wrdreg $0x9  }
0xad: {  	_ =	task.clear_ibuf [dreg:s4], $0x4FFFF;
	_ =	strace $0x90000046  }
0xae: {  	s26 =	simm.s32 $0x9;
	_ =	strace $0x80000048  }
0xaf: {  	_ =	swait.ge [sflag:s26], $0x1  }
0xb0: {  	[sflag:s26] =	ssyncadd.s32 $0xFFFFFFFF  }
0xb1: {  	_ =	strace $0x90000048  }
0xb2: {  	_ =	sfence  }
0xb3: {  	s28 =	sld [smem:$0x0];
	_ =	sdelay $0x1  }
0xb4: {  	s29 =	srdreg.scid  }
0xb5: {  	s30 =	sshll.u32 s29, $0xD;
	s31 =	sshrl.u32 s29, $0x2  }
0xb6: {  	s1 =	sand.u32 $0x1, s29;
	s2 =	sand.u32 $0x4000, s30;
	s0 =	sadd.s32 s31, s28  }
0xb7: {  	s1 =	sor.u32 s2, s1;
	s0 =	sshll.u32 s0, $0x11  }
0xb8: {  	s0 =	sor.u32 s0, s1  }
0xb9: {  	s0 =	sadd.s32 $0x8F2B, s0  }
0xba: {  	[sflag:s0] =	ssyncadd.remote.s32 $0x1  }
0xbb: {  	_ =	sfence.sel $0xFFFF  }
0xbc: {  	[dreg:$0x0] =	wrdreg $0xFFFFFFFF;
	(pc) =	sbr.abs _section_cstart, $3  }
0xbd: {  	[dreg:$0x1] =	wrdreg $0xFFFFFFFF  }
0xbe: {  	_ =	task.clear_ibuf [dreg:s4], $0x2FFFF;
	_ =	strace $0x9FFFFFFF  }
0xbf: {  	(tm) =	ssettm $0x7FFFFFFF  }
tec
execute0_lowered:
.L_overlay_start_1:
0x0: {  	(tag) =	ssettag $0x1  }
0x1: {  	s2 =	stileid.u32  }
0x2: {  	p0 =	sne.s32 s2, $0x0  }
.Ltmp0:
0x3: {  	_ = 	snop;
	(pc) =	sbr.rel @p0 .LBB2_2-.Ltmp0, $3  }
0x4: {  	_ =	sdelay $0x1  }
0x5: {  	s1 =	rddreg [dreg:$0x0]  }
0x6: {  	s0 =	rddreg [dreg:$0x1];
	_ =	strace $0x80000047  }
0x7: {  	s3 =	sadd.s32 $0x18000, s1;
	s2 =	simm.s32 $0x0;
	v5 =	vlaneseq.u32;
	s28 =	simm.s32 $0x2  }
0x8: {  	[tilespmem:s2], [sflag:$0x2] =	stream.linear.gather [hbm4b:s3+s2], $0x180, $0x38;
	v1 =	vmul.u32 $0x4, v5;
	[tilespmem:$0xC500] =	vst v63  }
0x9: {  	_ =	swait.ge [sflag:s28], $0x180  }
0xa: {  	[sflag:s28] =	ssyncset.done $0x0;
	v0 =	vor.u32 $0x1, v1  }
0xb: {  	v2 =	vor.u32 $0x2, v1;
	[sflag:s28] =	ssyncadd.s32 $0xFFFFFE80  }
0xc: {  	v3 =	vor.u32 $0x3, v1;
	v10 =	vld [tilespmem:$0x140]  }
0xd: {  	v9 =	vor.u32 $0x41, v1;
	v7 =	vld [tilespmem:$0x150]  }
0xe: {  	v12 =	vor.u32 $0x42, v1;
	v4 =	vld.idx.msk [tilespmem:v1+s2+$0x0], $0xffff  }
0xf: {  	v13 =	vor.u32 $0x43, v1;
	v0 =	vld.idx.msk [tilespmem:v0+s2+$0x0], $0xffff  }
0x10: {  	v16 =	vor.u32 $0x81, v1;
	v2 =	vld.idx.msk [tilespmem:v2+s2+$0x0], $0xffff  }
0x11: {  	v17 =	vor.u32 $0x83, v1;
	v3 =	vld.idx.msk [tilespmem:v3+s2+$0x0], $0xffff  }
0x12: {  	v47 =	vor.u32 $0xC3, v1;
	v9 =	vld.idx.msk [tilespmem:v9+s2+$0x0], $0xffff  }
0x13: {  	v25 =	vor.u32 $0x80, v1;
	v12 =	vld.idx.msk [tilespmem:v12+s2+$0x0], $0xffff  }
0x14: {  	v60 =	vor.u32 $0x82, v1;
	v13 =	vld.idx.msk [tilespmem:v13+s2+$0x0], $0xffff  }
0x15: {  	v29 =	vor.u32 $0xC0, v1;
	v16 =	vld.idx.msk [tilespmem:v16+s2+$0x0], $0xffff  }
0x16: {  	v31 =	vor.u32 $0xC2, v1;
	v17 =	vld.idx.msk [tilespmem:v17+s2+$0x0], $0xffff  }
0x17: {  	v55 =	vld.idx.msk [tilespmem:v47+s2+$0x0], $0xffff  }
0x18: {  	v25 =	vld.idx.msk [tilespmem:v25+s2+$0x0], $0xffff  }
0x19: {  	v33 =	vld.idx.msk [tilespmem:v60+s2+$0x0], $0xffff;
	v4 =	vmul.f32 v4, v10;
	v6 =	vmul.f32 v2, v10  }
0x1a: {  	v29 =	vld.idx.msk [tilespmem:v29+s2+$0x0], $0xffff;
	v0 =	vmul.f32 v0, v7;
	v3 =	vmul.f32 v3, v7  }
0x1b: {  	v45 =	vor.u32 $0x40, v1;
	v31 =	vld.idx.msk [tilespmem:v31+s2+$0x0], $0xffff;
	v21 =	vmul.f32 v12, v10;
	v48 =	vmul.f32 v9, v7  }
0x1c: {  	v13 =	vmul.f32 v13, v7;
	v16 =	vmul.f32 v16, v7  }
0x1d: {  	v24 =	vmul.u32 $0xC0, v5;
	v17 =	vmul.f32 v17, v7;
	v12 =	vmul.f32 v55, v7  }
0x1e: {  	v25 =	vmul.f32 v25, v10;
	v33 =	vmul.f32 v33, v10;
	v8 =	vadd.f32 v6, v4  }
0x1f: {  	v29 =	vmul.f32 v29, v10;
	v11 =	vadd.f32 v3, v0;
	v4 =	vsub.f32 v6, v4  }
0x20: {  	v2 =	vld.idx.msk [tilespmem:v45+s2+$0x0], $0xffff;
	v31 =	vmul.f32 v31, v10;
	v0 =	vsub.f32 v3, v0;
	v51 =	vadd.f32 v13, v48  }
0x21: {  	v61 =	vadd.f32 v17, v16;
	v41 =	vadd.f32 v33, v25;
	v8 =	vmul.f32 $5.000000000e-01, v8  }
0x22: {  	v25 =	vsub.f32 v33, v25;
	v11 =	vmul.f32 $5.000000000e-01, v11;
	v4 =	vmul.f32 $1.562500000e-02, v4  }
0x23: {  	v16 =	vsub.f32 v17, v16;
	v0 =	vmul.f32 $1.562500000e-02, v0;
	v54 =	vmul.f32 $5.000000000e-01, v51  }
0x24: {  	v19 =	vor.u32 $0xC1, v1;
	v28 =	vmul.f32 $5.000000000e-01, v61;
	v17 =	vmul.f32 $1.562500000e-02, v25  }
0x25: {  	v37 =	vadd.s32 $0xC00, v24;
	v16 =	vmul.f32 $1.562500000e-02, v16;
	v20 =	vmul.f32 v2, v10  }
0x26: {  	v42 =	vor.u32 $0x20, v24;
	v14 =	vtrunc.f32 v8;
	v15 =	vtrunc.f32 v11  }
0x27: {  	v44 =	vadd.s32 $0xC20, v24;
	v58 =	vtrunc.f32 v54;
	v30 =	vtrunc.f32 v28  }
0x28: {  	v13 =	vsub.f32 v13, v48;
	v10 =	vld [tilespmem:$0x120];
	v14 =	vcvt.f32.s32 v14;
	v15 =	vcvt.f32.s32 v15  }
0x29: {  	v50 =	vadd.f32 v21, v20;
	v59 =	vcvt.f32.s32 v58;
	v30 =	vcvt.f32.s32 v30  }
0x2a: {  	v39 =	vsub.f32 v21, v20;
	v58 =	vadd.s32 $0xC60, v24;
	vm0 =	vgt.s32 v14, $0x0  }
0x2b: {  	vm5 =	vgt.s32 v15, $0x0;
	v22 =	vmul.f32 $5.000000000e-01, v50;
	vm1 =	vgt.s32 v59, $0x0  }
0x2c: {  	vm7 =	vgt.s32 v30, $0x0;
	v50 =	vadd.s32 $0x40, v24;
	v14 =	vnsel vm0, $0x0, v14  }
0x2d: {  	v15 =	vnsel vm5, $0x0, v15;
	v30 =	vnsel vm7, $0x0, v30;
	vm12 =	vgt.f32 v10, $5.000000000e-01  }
0x2e: {  	v14 =	vmin.u32 v14, $0x3F;
	v18 =	vmin.u32 v15, $0x3F;
	v56 =	vtrunc.f32 v22  }
0x2f: {  	v30 =	vmin.u32 v30, $0x3F;
	v46 =	vcvt.s32.f32 v14;
	v49 =	vcvt.s32.f32 v18  }
0x30: {  	v52 =	vld.idx.msk [tilespmem:v19+s2+$0x0], $0xffff;
	v53 =	vshll.u32 v18, $0x6;
	v57 =	vcvt.f32.s32 v56;
	v23 =	vshrl.u32 v18, $0x1  }
0x31: {  	v18 =	vnsel vm1, $0x0, v59;
	v56 =	vadd.s32 $0x60, v24;
	v61 =	vcvt.s32.f32 v30  }
0x32: {  	v15 =	vor.u32 v14, v53;
	v9 =	vand.u32 $0x40, v53;
	v27 =	vmin.u32 v18, $0x3F  }
0x33: {  	v32 =	vor.u32 v24, v23;
	v43 =	vor.u32 v42, v23;
	v51 =	vor.u32 v50, v23  }
0x34: {  	v2 =	vsub.f32 v8, v46;
	v6 =	vsub.f32 v11, v49;
	v9 =	vor.u32 v14, v9  }
0x35: {  	vm6 =	vgt.s32 v57, $0x0;
	v11 =	vmul.f32 v52, v7;
	v63 =	vcvt.s32.f32 v27  }
0x36: {  	v8 =	vmul.f32 $1.562500000e-02, v39;
	[tilespmem:$0x1C0] =	vst v43;
	v46 =	vshll.u32 v27, $0x6;
	v52 =	vadd.s32 $0xC40, v24  }
0x37: {  	[tilespmem:$0x200] =	vst v51;
	v43 =	vadd.s32 $0xC80, v24;
	v51 =	vadd.s32 $0xCA0, v24;
	v14 =	vnsel vm6, $0x0, v57  }
0x38: {  	v57 =	vor.u32 v56, v23;
	v26 =	vadd.f32 v12, v11;
	v14 =	vmin.u32 v14, $0x3F  }
0x39: {  	v1 =	vsub.f32 v54, v63;
	v63 =	vadd.f32 v31, v29;
	v62 =	vcvt.s32.f32 v14  }
0x3a: {  	v29 =	vsub.f32 v31, v29;
	v11 =	vsub.f32 v12, v11;
	v18 =	vmul.f32 $5.000000000e-01, v26  }
0x3b: {  	v26 =	vmul.f32 $5.000000000e-01, v41;
	v3 =	vsub.f32 v22, v62;
	v22 =	vshrl.u32 v27, $0x1  }
0x3c: {  	v41 =	vadd.s32 $0x80, v24;
	v34 =	vtrunc.f32 v18;
	v38 =	vor.u32 v37, v22  }
0x3d: {  	[tilespmem:$0x180] =	vst v32;
	v45 =	vor.u32 v44, v22;
	v48 =	vtrunc.f32 v26;
	v59 =	vor.u32 v58, v22  }
0x3e: {  	[tilespmem:$0x240] =	vst v57;
	v36 =	vcvt.f32.s32 v34;
	v34 =	vshrl.u32 v30, $0x1;
	v20 =	vcvt.f32.s32 v48  }
0x3f: {  	[tilespmem:$0x190] =	vst v38;
	v48 =	vadd.s32 $0xA0, v24;
	v40 =	vor.u32 v24, v34;
	v47 =	vor.u32 v42, v34  }
0x40: {  	[tilespmem:$0x1D0] =	vst v45;
	v53 =	vor.u32 v50, v34;
	v62 =	vor.u32 v56, v34;
	v42 =	vor.u32 v41, v23  }
0x41: {  	[tilespmem:$0x250] =	vst v59;
	v45 =	vor.u32 v41, v34;
	v50 =	vor.u32 v48, v23;
	v23 =	vmul.u32 $0x80, v5  }
0x42: {  	vm8 =	vgt.s32 v36, $0x0;
	vm9 =	vgt.s32 v20, $0x0;
	[tilespmem:$0x220] =	vst v53;
	v53 =	vor.u32 v51, v22  }
0x43: {  	[tilespmem:$0x260] =	vst v62;
	v7 =	vnsel vm8, $0x0, v36;
	v36 =	vor.u32 v14, v46;
	v54 =	vnsel vm9, $0x0, v20  }
0x44: {  	[tilespmem:$0x280] =	vst v42;
	v20 =	vmul.f32 $5.000000000e-01, v63;
	v59 =	vor.u32 $0x4000, v23;
	v62 =	vor.u32 $0x2000, v23  }
0x45: {  	[tilespmem:$0x2C0] =	vst v50;
	v38 =	vor.u32 $0x8000, v23;
	v42 =	vor.u32 $0xA000, v23;
	v50 =	vor.u32 $0x6800, v23  }
0x46: {  	v5 =	vld [tilespmem:$0x130];
	[tilespmem:$0x1A0] =	vst v40;
	v35 =	vmin.u32 v7, $0x3F;
	v7 =	vmul.f32 $1.562500000e-02, v13;
	v27 =	vmin.u32 v54, $0x3F  }
0x47: {  	[tilespmem:$0x1E0] =	vst v47;
	v13 =	vand.u32 $0x40, v46;
	v21 =	vshrl.u32 v35, $0x1;
	v60 =	vcvt.s32.f32 v27  }
0x48: {  	[tilespmem:$0x2A0] =	vst v45;
	v46 =	vtrunc.f32 v20;
	v63 =	vcvt.s32.f32 v35;
	v19 =	vor.u32 v37, v21  }
0x49: {  	[tilespmem:$0x2D0] =	vst v53;
	v49 =	vor.u32 v44, v21;
	v37 =	vor.u32 v52, v22;
	v55 =	vor.u32 v52, v21  }
0x4a: {  	v40 =	vor.u32 v58, v21;
	v44 =	vor.u32 v43, v22;
	v47 =	vor.u32 v43, v21;
	[tilespmem:$0x1B0] =	vst v19  }
0x4b: {  	v21 =	vor.u32 v51, v21;
	v58 =	vor.u32 v23, v9;
	vm14 =	vgt.f32 v5, $5.000000000e-01;
	[tilespmem:$0x1F0] =	vst v49  }
0x4c: {  	v43 =	vimm.s32 $0x0;
	v19 =	vor.u32 v14, v13;
	[tilespmem:$0x210] =	vst v37;
	v13 =	vsub.f32 v26, v60  }
0x4d: {  	[tilespmem:$0x230] =	vst v55;
	v14 =	vsub.f32 v28, v61;
	v49 =	vcvt.f32.s32 v46;
	v55 =	vshll.u32 v30, $0x6  }
0x4e: {  	[tilespmem:$0x270] =	vst v40;
	v26 =	vor.u32 v48, v34;
	v60 =	vor.u32 v59, v9;
	v61 =	vor.u32 $0x6000, v23  }
0x4f: {  	[tilespmem:$0x2F0] =	vst v21;
	v37 =	vshll.u32 v35, $0x6;
	v21 =	vor.u32 v62, v9;
	v40 =	vor.u32 v38, v9  }
0x50: {  	[tilespmem:$0x2B0] =	vst v47;
	v18 =	vsub.f32 v18, v63;
	v46 =	vor.u32 $0x800, v23;
	v47 =	vor.u32 $0x2800, v23  }
0x51: {  	v54 =	vld [tilespmem:$0x110];
	[tilespmem:$0x290] =	vst v44;
	v59 =	vor.u32 $0x5000, v23;
	v62 =	vor.u32 $0xB000, v23;
	v38 =	vor.u32 $0x7800, v23  }
0x52: {  	s5 =	simm.s32 $0x180;
	s4 =	simm.s32 $0x300;
	s29 =	simm.s32 $0x1;
	[tilespmem:$0x2E0] =	vst v26;
	v56 =	vor.u32 v27, v55;
	v25 =	vand.u32 $0x40, v55;
	v32 =	vor.u32 v61, v9  }
0x53: {  	v52 =	vld [tilespmem:$0x100];
	v9 =	vor.u32 v42, v9;
	v45 =	vand.u32 $0x40, v37;
	v48 =	vor.u32 v47, v19;
	[tilespmem:s4], [sflag:$0x1] =	stream.indirect.gather [hbm4b:s1+s5], $0x80, s5, s5, $0xb8  }
0x54: {  	v51 =	vor.u32 v50, v19;
	v55 =	vor.u32 $0x1000, v23;
	v61 =	vor.u32 $0x9000, v23;
	_ =	swait.ge [sflag:s29], $0xC000  }
0x55: {  	v42 =	vor.u32 $0x3800, v23;
	vm10 =	vgt.s32 v49, $0x0;
	v25 =	vor.u32 v27, v25;
	[sflag:s29] =	ssyncset.done $0x0  }
0x56: {  	vm2 =	veq.s32 v15, v56;
	vm13 =	vgt.f32 v54, $5.000000000e-01;
	v28 =	vnsel vm10, $0x0, v49;
	[sflag:s29] =	ssyncadd.s32 $0xFFFF4000  }
0x57: {  	vm1 =	vmand vm13, vm14;
	v49 =	vor.u32 $0x4800, v23;
	v31 =	vor.u32 v61, v25;
	v39 =	vld.idx.msk [tilespmem:v58+s4+$0x0], $0xffff  }
0x58: {  	v63 =	vor.u32 v62, v25;
	v28 =	vmin.u32 v28, $0x3F;
	vm11 =	vgt.f32 v52, $5.000000000e-01;
	v27 =	vld.idx.msk [tilespmem:v60+s4+$0x0], $0xffff  }
0x59: {  	v24 =	vor.u32 v49, v19;
	v57 =	vcvt.s32.f32 v28;
	vm0 =	vmand vm11, vm12;
	v32 =	vld.idx.msk [tilespmem:v32+s4+$0x0], $0xffff  }
0x5a: {  	v41 =	vor.u32 v28, v37;
	v28 =	vor.u32 v28, v45;
	vm0 =	vmand vm0, vm2;
	v21 =	vld.idx.msk [tilespmem:v21+s4+$0x0], $0xffff  }
0x5b: {  	vm15 =	veq.s32 v36, v41;
	v26 =	vld.idx.msk [tilespmem:v40+s4+$0x0], $0xffff;
	v58 =	vor.u32 $0x3000, v23;
	v44 =	vsel vm0, $0x3F800000, v43  }
0x5c: {  	v9 =	vld.idx.msk [tilespmem:v9+s4+$0x0], $0xffff;
	v60 =	vor.u32 $0x7000, v23;
	vm1 =	vmand vm1, vm15;
	v12 =	vsub.f32 $1.000000000e+00, v44  }
0x5d: {  	v36 =	vor.u32 $0x5800, v23;
	v20 =	vsub.f32 v20, v57;
	v30 =	vsel vm1, $0x3F800000, v43  }
0x5e: {  	v56 =	vld.idx.msk [tilespmem:v48+s4+$0x0], $0xffff;
	v57 =	vor.u32 v55, v25;
	v30 =	vsub.f32 $1.000000000e+00, v30;
	v12 =	vmul.f32 v12, v52  }
0x5f: {  	v31 =	vld.idx.msk [tilespmem:v31+s4+$0x0], $0xffff;
	v52 =	vor.u32 $0x8800, v23;
	v15 =	vsub.f32 v39, v21;
	v21 =	vor.u32 v46, v19  }
0x60: {  	v43 =	vld.idx.msk [tilespmem:v63+s4+$0x0], $0xffff;
	v2 =	vsub.f32 v27, v2;
	v6 =	vsub.f32 v32, v6;
	v53 =	vor.u32 v52, v19  }
0x61: {  	v24 =	vld.idx.msk [tilespmem:v24+s4+$0x0], $0xffff;
	v4 =	vsub.f32 v26, v4;
	v0 =	vsub.f32 v9, v0;
	v26 =	vor.u32 v58, v25  }
0x62: {  	v9 =	vld.idx.msk [tilespmem:v51+s4+$0x0], $0xffff;
	v27 =	vor.u32 v59, v25;
	v2 =	vand.u32 $0x7FFFFFFF, v2;
	v6 =	vand.u32 $0x7FFFFFFF, v6  }
0x63: {  	v22 =	vmul.f32 v30, v54;
	v30 =	vor.u32 v60, v25;
	v2 =	vadd.f32 v6, v2;
	v6 =	vld.idx.msk [tilespmem:v57+s4+$0x0], $0xffff  }
0x64: {  	v41 =	vor.u32 $0x9800, v23;
	v25 =	vor.u32 v36, v28;
	v4 =	vand.u32 $0x7FFFFFFF, v4;
	v21 =	vld.idx.msk [tilespmem:v21+s4+$0x0], $0xffff  }
0x65: {  	v54 =	vor.u32 $0xA800, v23;
	v32 =	vor.u32 v41, v28;
	v2 =	vadd.f32 v4, v2;
	v4 =	vld.idx.msk [tilespmem:v53+s4+$0x0], $0xffff  }
0x66: {  	v40 =	vor.u32 $0x1800, v23;
	v23 =	vor.u32 $0xB800, v23;
	v19 =	vor.u32 v54, v19;
	v37 =	vld.idx.msk [tilespmem:v26+s4+$0x0], $0xffff  }
0x67: {  	v47 =	vmul.f32 $1.562500000e-02, v29;
	v23 =	vor.u32 v23, v28;
	v0 =	vand.u32 $0x7FFFFFFF, v0;
	v39 =	vld.idx.msk [tilespmem:v27+s4+$0x0], $0xffff  }
0x68: {  	v15 =	vmul.f32 v15, v12;
	v3 =	vsub.f32 v24, v3;
	v1 =	vsub.f32 v9, v1;
	v30 =	vld.idx.msk [tilespmem:v30+s4+$0x0], $0xffff  }
0x69: {  	v52 =	vsub.f32 v31, v17;
	v26 =	vor.u32 v38, v28;
	v45 =	vld.idx.msk [tilespmem:v25+s4+$0x0], $0xffff;
	v0 =	vadd.f32 v0, v2  }
0x6a: {  	v15 =	vadd.f32 $0.0e+00, v15;
	v3 =	vand.u32 $0x7FFFFFFF, v3;
	v49 =	vld.idx.msk [tilespmem:v32+s4+$0x0], $0xffff;
	v1 =	vand.u32 $0x7FFFFFFF, v1  }
0x6b: {  	v19 =	vld.idx.msk [tilespmem:v19+s4+$0x0], $0xffff;
	v1 =	vadd.f32 v1, v3;
	v0 =	vmul.f32 v0, v12;
	v12 =	vadd.f32 $0.0e+00, v12  }
0x6c: {  	v44 =	vor.u32 v42, v28;
	v53 =	vld.idx.msk [tilespmem:v23+s4+$0x0], $0xffff;
	v2 =	vsub.f32 v21, v56;
	v4 =	vsub.f32 v4, v8  }
0x6d: {  	v27 =	vor.u32 v40, v28;
	v6 =	vsub.f32 v6, v37;
	v9 =	vsub.f32 v39, v13  }
0x6e: {  	v46 =	vld.idx.msk [tilespmem:v26+s4+$0x0], $0xffff;
	v50 =	vsub.f32 v30, v14;
	v3 =	vsub.f32 v45, v20  }
0x6f: {  	v11 =	vmul.f32 $1.562500000e-02, v11;
	v8 =	vsub.f32 v43, v16;
	v13 =	vsub.f32 v49, v47  }
0x70: {  	v0 =	vadd.f32 $0.0e+00, v0;
	v7 =	vsub.f32 v19, v7;
	v4 =	vand.u32 $0x7FFFFFFF, v4  }
0x71: {  	v51 =	vld.idx.msk [tilespmem:v44+s4+$0x0], $0xffff;
	v54 =	vand.u32 $0x7FFFFFFF, v52;
	v11 =	vsub.f32 v53, v11;
	v1 =	vadd.f32 v4, v1  }
0x72: {  	v48 =	vld.idx.msk [tilespmem:v27+s4+$0x0], $0xffff;
	v59 =	vadd.f32 v22, v12;
	v9 =	vand.u32 $0x7FFFFFFF, v9;
	v7 =	vand.u32 $0x7FFFFFFF, v7  }
0x73: {  	v1 =	vadd.f32 v7, v1;
	v7 =	vand.u32 $0x7FFFFFFF, v50;
	v18 =	vsub.f32 v46, v18  }
0x74: {  	v2 =	vmul.f32 v2, v22;
	v6 =	vmul.f32 v6, v10;
	v7 =	vadd.f32 v7, v9  }
0x75: {  	v3 =	vand.u32 $0x7FFFFFFF, v3;
	v8 =	vand.u32 $0x7FFFFFFF, v8;
	v55 =	vand.u32 $0x7FFFFFFF, v18  }
0x76: {  	v56 =	vand.u32 $0x7FFFFFFF, v13;
	v7 =	vadd.f32 v54, v7;
	v3 =	vadd.f32 v55, v3  }
0x77: {  	v57 =	vand.u32 $0x7FFFFFFF, v11;
	v2 =	vadd.f32 v2, v15;
	v4 =	vsub.f32 v48, v51  }
0x78: {  	v1 =	vmul.f32 v1, v22;
	v7 =	vadd.f32 v8, v7;
	v3 =	vadd.f32 v56, v3  }
0x79: {  	v61 =	vadd.f32 v59, v10;
	v2 =	vadd.f32 v6, v2;
	v4 =	vmul.f32 v4, v5  }
0x7a: {  	v0 =	vadd.f32 v1, v0;
	v58 =	vmul.f32 v7, v10;
	v3 =	vadd.f32 v57, v3  }
0x7b: {  	v63 =	vimm.f32 $0.0e+00;
	v2 =	vadd.f32 v4, v2  }
0x7c: {  	v62 =	vadd.f32 v61, v5;
	v0 =	vadd.f32 v58, v0;
	v60 =	vmul.f32 v3, v5  }
0x7d: {  	[tilespmem:$0xC480] =	vst v63;
	v2 =	vmul.f32 $9.900000090e-01, v2  }
0x7e: {  	[tilespmem:$0xC400] =	vst v62;
	v0 =	vadd.f32 v60, v0  }
0x7f: {  	[tilespmem:$0xC300] =	vst v2  }
0x80: {  	s30 =	sadd.s32 $0x18200, s1;
	s31 =	simm.s32 $0xC300;
	[tilespmem:$0xC380] =	vst v0  }
0x81: {  	[hbm4b:s30+s2] =	stream.linear.scatter [tilespmem:s31], [sflag:$0x2], $0x200, $0x38;
	[tilespmem:$0xC500] =	vst v63  }
0x82: {  	_ =	swait.ge [sflag:s28], $0x200  }
0x83: {  	[sflag:s28] =	ssyncset.done $0x0  }
0x84: {  	[sflag:s28] =	ssyncadd.s32 $0xFFFFFE00  }
.LBB2_2:
0x85: {  	_ =	sfence.sel $0x180000  }
0x86: {  	[bflag:$0x0] =	sbarrier.arrive $0xFFFF  }
0x87: {  	_ =	strace $0x90000047  }
0x88: {  	s0 =	sadd.s32 @!p0 $0x100000, s0;
	[bflag:$0x2] =	sbarrier.arrive $0xFFFF  }
0x89: {  	[sflag:s0] =	ssyncadd.tile.s32 @!p0 $0x1;
	_ =	shalt  }
.Lfunc_end2:
_tile_overlayer_lowered:
.L_overlay_start_2:
0x8a: {  	(tag) =	ssettag $0x2  }
0x8b: {  	s0 =	rddreg [dreg:$0x0];
	s2 =	stileid.u32  }
0x8c: {  	s1 =	rddreg [dreg:$0x1];
	p0 =	sne.s32 s2, $0x0  }
0x8d: {  	s3 =	rddreg [dreg:$0x2];
	[bflag:$0x3] =	sbarrier.arrive $0xFFFF;
	s2 =	simm.s32 @!p0 $0x1C02  }
0x8e: {  	[timem:s3], [sflag:s2] =	dma.local @!p0 [hbm:s0], s1  }
0x8f: {  	s0 =	simm.s32 @!p0 $0x2  }
0x90: {  	_ =	swait.ge @!p0 [sflag:s0], s1  }
0x91: {  	s1 =	ssub.s32 @!p0 $0x0, s1;
	[sflag:s0] =	ssyncset.done @!p0 $0x0  }
0x92: {  	[sflag:s0] =	ssyncadd.s32 @!p0 s1  }
0x93: {  	[bflag:$0x3] =	sbarrier.arrive $0xFFFF  }
0x94: {  	_ =	shalt  }

</sc_bundles>
